<compile_context>
chip_gen: v7x
topology: tpu7x:2x2x1
jax: 0.10.2.dev20260603
libtpu: 0.0.44.dev20260713+nightly
codegen_flags: <defaults>
</compile_context>

<pallas_src>
import dataclasses

import jax
import jax.numpy as jnp
from jax import lax
from jax.experimental import pallas as pl
from jax.experimental.pallas import tpu as pltpu
from jax.experimental.pallas import tpu_sc as plsc

N_NODES = 10000
N_EDGES = 320000
D = 128

NC = 2
NS = 16
NW = NC * NS
L = 16
CHUNK = 128
NCHUNK = N_EDGES // CHUNK
SPAN = 80
NCHUNK_PAD = NW * SPAN
CHUNK_S = 64
NCHUNK_S = N_EDGES // CHUNK_S
SPAN_S = 160
HSPAN_S = SPAN_S // 2
NCHUNK_S_PAD = NW * SPAN_S
BE = 2000

_HIGHEST = jax.lax.Precision.HIGHEST


def _silu(x):
    return x * jax.nn.sigmoid(x)


def _tables_body(x_ref, w1a_ref, w1b_ref, ts_ref, td_ref):
    x = x_ref[...]
    ts_ref[...] = jnp.dot(x, w1a_ref[...], preferred_element_type=jnp.float32,
                          precision=_HIGHEST)
    td_ref[...] = jnp.dot(x, w1b_ref[...], preferred_element_type=jnp.float32,
                          precision=_HIGHEST)


def _make_tables(X, w1a, w1b):
    bn = 1000
    return pl.pallas_call(
        _tables_body,
        grid=(N_NODES // bn,),
        in_specs=[
            pl.BlockSpec((bn, D), lambda i: (i, 0)),
            pl.BlockSpec((D, D), lambda i: (0, 0)),
            pl.BlockSpec((D, D), lambda i: (0, 0)),
        ],
        out_specs=[
            pl.BlockSpec((bn, D), lambda i: (i, 0)),
            pl.BlockSpec((bn, D), lambda i: (i, 0)),
        ],
        out_shape=[
            jax.ShapeDtypeStruct((N_NODES, D), jnp.float32),
            jax.ShapeDtypeStruct((N_NODES, D), jnp.float32),
        ],
    )(X, w1a, w1b)


HSPAN = SPAN // 2


def _nrm16(emb_v, i16s, i16d):
    i3s = i16s * 3
    i3d = i16d * 3
    n2 = None
    for comp in range(3):
        es = plsc.load_gather(emb_v, [i3s + comp])
        ed = plsc.load_gather(emb_v, [i3d + comp])
        dd = ed - es
        n2 = dd * dd if n2 is None else n2 + dd * dd
    return n2


def _gather_body(ts_hbm, td_hbm, src_hbm, dst_hbm, ep_hbm,
                 gs_hbm, gd_hbm, nrm_hbm,
                 idx_s, idx_d, rows_s, rows_d, emb_v, nrm_v, sem_s, sem_d):
    wid = lax.axis_index("s") * NC + lax.axis_index("c")
    pltpu.sync_copy(src_hbm.at[pl.ds(wid * SPAN, SPAN)], idx_s)
    pltpu.sync_copy(dst_hbm.at[pl.ds(wid * SPAN, SPAN)], idx_d)
    pltpu.sync_copy(ep_hbm, emb_v)
    iota16 = jax.lax.iota(jnp.int32, L)
    zeros16 = jnp.full((L,), 0, jnp.int32)

    @pl.loop(0, SPAN)
    def _(j):
        c = wid * SPAN + j

        @pl.when(c < NCHUNK)
        def _():
            base = c * CHUNK
            cp_s = pltpu.async_copy(ts_hbm.at[idx_s.at[j]], rows_s, sem_s)
            cp_d = pltpu.async_copy(td_hbm.at[idx_d.at[j]], rows_d, sem_d)
            for k in range(CHUNK // L):
                nrm = _nrm16(emb_v, idx_s[j, pl.ds(k * L, L)],
                             idx_d[j, pl.ds(k * L, L)])
                plsc.store_scatter(nrm_v, [iota16 + k * L, zeros16], nrm)
            pltpu.sync_copy(nrm_v, nrm_hbm.at[pl.ds(base, CHUNK)])
            cp_s.wait()
            pltpu.sync_copy(rows_s, gs_hbm.at[pl.ds(base, CHUNK)])
            cp_d.wait()
            pltpu.sync_copy(rows_d, gd_hbm.at[pl.ds(base, CHUNK)])


def _sc_compiler_params():
    cp = pltpu.CompilerParams()
    if "needs_layout_passes" in pltpu.CompilerParams.__dataclass_fields__:
        cp = dataclasses.replace(cp, needs_layout_passes=False)
    return cp


def _sc_gather(ts, td, src2d, dst2d, ep4):
    mesh = plsc.VectorSubcoreMesh(core_axis_name="c", subcore_axis_name="s",
                                  num_cores=NC, num_subcores=NS)
    kern = pl.kernel(
        _gather_body,
        compiler_params=_sc_compiler_params(),
        out_type=[
            jax.ShapeDtypeStruct((N_EDGES, D), jnp.float32),
            jax.ShapeDtypeStruct((N_EDGES, D), jnp.float32),
            jax.ShapeDtypeStruct((N_EDGES, 8), jnp.float32),
        ],
        mesh=mesh,
        scratch_types=[
            pltpu.VMEM((SPAN, CHUNK), jnp.int32),
            pltpu.VMEM((SPAN, CHUNK), jnp.int32),
            pltpu.VMEM((CHUNK, D), jnp.float32),
            pltpu.VMEM((CHUNK, D), jnp.float32),
            pltpu.VMEM((3 * N_NODES,), jnp.float32),
            pltpu.VMEM((CHUNK, 8), jnp.float32),
            pltpu.SemaphoreType.DMA,
            pltpu.SemaphoreType.DMA,
        ],
    )
    return kern(ts, td, src2d, dst2d, ep4)


def _edge_body(gs_ref, gd_ref, nrm_ref, ee_ref, wn16_ref, wd8_ref, b1_ref,
               we2_ref, b2_ref, out_ref):
    pre1 = (gs_ref[...] + gd_ref[...] + b1_ref[...]
            + jnp.dot(jnp.sqrt(nrm_ref[...]), wn16_ref[...],
                      preferred_element_type=jnp.float32)
            + jnp.dot(ee_ref[...], wd8_ref[...],
                      preferred_element_type=jnp.float32))
    t = _silu(pre1)
    pre2 = jnp.dot(t, we2_ref[...], preferred_element_type=jnp.float32,
                   precision=_HIGHEST) + b2_ref[...]
    out_ref[...] = _silu(pre2)


def _edge_mlp(gs, gd, nrm, ee8, wn16, wd8, b1, we2, b2):
    return pl.pallas_call(
        _edge_body,
        grid=(N_EDGES // BE,),
        in_specs=[
            pl.BlockSpec((BE, D), lambda i: (i, 0)),
            pl.BlockSpec((BE, D), lambda i: (i, 0)),
            pl.BlockSpec((BE, 8), lambda i: (i, 0)),
            pl.BlockSpec((BE, 8), lambda i: (i, 0)),
            pl.BlockSpec((8, D), lambda i: (0, 0)),
            pl.BlockSpec((8, D), lambda i: (0, 0)),
            pl.BlockSpec((1, D), lambda i: (0, 0)),
            pl.BlockSpec((D, D), lambda i: (0, 0)),
            pl.BlockSpec((1, D), lambda i: (0, 0)),
        ],
        out_specs=pl.BlockSpec((BE, D), lambda i: (i, 0)),
        out_shape=jax.ShapeDtypeStruct((N_EDGES, D), jnp.float32),
    )(gs, gd, nrm, ee8, wn16, wd8, b1, we2, b2)


ACC_ROWS = N_NODES


def _scatter_body(mij_hbm, dst_hbm, zeros_hbm, p_hbm, idx_v, rows_v0, rows_v1,
                  acc, sem0, sem1):
    cid = lax.axis_index("c")
    sid = lax.axis_index("s")

    @pl.when(sid == 0)
    def _():
        pltpu.sync_copy(zeros_hbm, acc)

    wid = sid * NC + cid
    plsc.subcore_barrier()

    def start(c, rv, sem):
        pltpu.make_async_copy(mij_hbm.at[pl.ds(c * CHUNK_S, CHUNK_S)], rv,
                              sem).start()

    def finish(c, j, rv, sem):
        pltpu.make_async_copy(mij_hbm.at[pl.ds(c * CHUNK_S, CHUNK_S)], rv,
                              sem).wait()
        pltpu.sync_copy(rv, acc.at[idx_v.at[j]], add=True)

    for half in range(2):
        cbase = wid * SPAN_S + half * HSPAN_S
        pltpu.sync_copy(dst_hbm.at[pl.ds(cbase, HSPAN_S)], idx_v)

        @pl.when(cbase < NCHUNK_S)
        def _():
            start(cbase, rows_v0, sem0)

        @pl.loop(0, HSPAN_S, step=2)
        def _(j):
            c0 = cbase + j
            c1 = c0 + 1

            @pl.when(c1 < NCHUNK_S)
            def _():
                start(c1, rows_v1, sem1)

            @pl.when(c0 < NCHUNK_S)
            def _():
                finish(c0, j, rows_v0, sem0)

            @pl.when((j + 2 < HSPAN_S) & (c0 + 2 < NCHUNK_S))
            def _():
                start(c0 + 2, rows_v0, sem0)

            @pl.when(c1 < NCHUNK_S)
            def _():
                finish(c1, j + 1, rows_v1, sem1)

    plsc.subcore_barrier()

    @pl.when(sid == 0)
    def _():
        pltpu.sync_copy(acc, p_hbm.at[cid])


def _sc_scatter(mij, dst2d, zeros):
    mesh = plsc.VectorSubcoreMesh(core_axis_name="c", subcore_axis_name="s",
                                  num_cores=NC, num_subcores=NS)
    kern = pl.kernel(
        _scatter_body,
        out_type=jax.ShapeDtypeStruct((NC, N_NODES, D), jnp.float32),
        mesh=mesh,
        compiler_params=_sc_compiler_params(),
        scratch_types=[
            pltpu.VMEM((HSPAN_S, CHUNK_S), jnp.int32),
            pltpu.VMEM((CHUNK_S, D), jnp.float32),
            pltpu.VMEM((CHUNK_S, D), jnp.float32),
            pltpu.VMEM_SHARED((ACC_ROWS, D), jnp.float32),
            pltpu.SemaphoreType.DMA,
            pltpu.SemaphoreType.DMA,
        ],
    )
    return kern(mij, dst2d, zeros)


def _node_body(x_ref, p0_ref, p1_ref, w1x_ref, w1m_ref, b1_ref, w2_ref,
               b2_ref, out_ref):
    x = x_ref[...]
    mi = p0_ref[...] + p1_ref[...]
    t = _silu(jnp.dot(x, w1x_ref[...], preferred_element_type=jnp.float32,
                      precision=_HIGHEST)
              + jnp.dot(mi, w1m_ref[...], preferred_element_type=jnp.float32,
                        precision=_HIGHEST)
              + b1_ref[...])
    out_ref[...] = jnp.dot(t, w2_ref[...], preferred_element_type=jnp.float32,
                           precision=_HIGHEST) + b2_ref[...]


def _node_mlp(X, p0, p1, w1x, w1m, b1, w2, b2):
    bn = 1000
    return pl.pallas_call(
        _node_body,
        grid=(N_NODES // bn,),
        in_specs=[
            pl.BlockSpec((bn, D), lambda i: (i, 0)),
            pl.BlockSpec((bn, D), lambda i: (i, 0)),
            pl.BlockSpec((bn, D), lambda i: (i, 0)),
            pl.BlockSpec((D, D), lambda i: (0, 0)),
            pl.BlockSpec((D, D), lambda i: (0, 0)),
            pl.BlockSpec((1, D), lambda i: (0, 0)),
            pl.BlockSpec((D, D), lambda i: (0, 0)),
            pl.BlockSpec((1, D), lambda i: (0, 0)),
        ],
        out_specs=pl.BlockSpec((bn, D), lambda i: (i, 0)),
        out_shape=jax.ShapeDtypeStruct((N_NODES, D), jnp.float32),
    )(X, p0, p1, w1x, w1m, b1, w2, b2)


def kernel(X, E, emb_nodes, emb_edges, edge_index,
           W_e1, b_e1, W_e2, b_e2, W_h1, b_h1, W_h2, b_h2):
    src = edge_index[0]
    dst = edge_index[1]
    pad_rows = NCHUNK_PAD - NCHUNK
    src2d = jnp.pad(src.reshape(NCHUNK, CHUNK), ((0, pad_rows), (0, 0)))
    dst2d = jnp.pad(dst.reshape(NCHUNK, CHUNK), ((0, pad_rows), (0, 0)))
    dst2d_s = jnp.pad(dst.reshape(NCHUNK_S, CHUNK_S),
                      ((0, NCHUNK_S_PAD - NCHUNK_S), (0, 0)))
    ep3 = emb_nodes.reshape(-1)
    ee8 = jnp.pad(emb_edges, ((0, 0), (0, 8 - emb_edges.shape[1])))

    w1a = W_e1[0:D]
    w1b = W_e1[D:2 * D]
    wn8 = jnp.pad(W_e1[2 * D:2 * D + 1], ((0, 7), (0, 0)))
    wd8 = jnp.pad(W_e1[2 * D + 1:], ((0, 6), (0, 0)))
    b1 = b_e1.reshape(1, D)
    b2 = b_e2.reshape(1, D)

    ts, td = _make_tables(X, w1a, w1b)
    gs, gd, nrm = _sc_gather(ts, td, src2d, dst2d, ep3)
    mij = _edge_mlp(gs, gd, nrm, ee8, wn8, wd8, b1, W_e2, b2)
    zeros = jnp.zeros((ACC_ROWS, D), jnp.float32)
    parts = _sc_scatter(mij, dst2d_s, zeros)
    X_out = _node_mlp(X, parts[0], parts[1], W_h1[0:D], W_h1[D:],
                      b_h1.reshape(1, D), W_h2, b_h2.reshape(1, D))
    return (X_out, mij, emb_nodes, emb_edges)

# --- scband reference (transcript-rebuilt; emitter-appended) ---
"""Pipeline reference for scband-ignn-57964878627399 (READ-ONLY COPY).

The authoritative reference and input builder live on the scoring server;
editing this copy changes nothing except your own understanding.
"""

import jax, jax.numpy as jnp
import numpy as np

N = 10000
EDGES = 320000
D = 128


def setup_inputs(seed: int = 0) -> dict:
    key = jax.random.key(seed)
    ks = jax.random.split(key, 16)
    X = jax.random.normal(ks[0], (N, D), dtype=jnp.float32)
    E = jax.random.normal(ks[1], (EDGES, D), dtype=jnp.float32)
    emb_nodes = jax.random.normal(ks[2], (N, 3), dtype=jnp.float32)
    emb_edges = jax.random.normal(ks[3], (EDGES, 2), dtype=jnp.float32)
    edge_index = jax.random.randint(ks[4], (2, EDGES), 0, N, dtype=jnp.int32)
    s = 0.05
    # phi_e: Linear(2*D+1+2 -> D), SiLU, Linear(D -> D), SiLU
    W_e1 = jax.random.normal(ks[5], (2 * D + 3, D), dtype=jnp.float32) * s
    b_e1 = jnp.zeros((D,), dtype=jnp.float32)
    W_e2 = jax.random.normal(ks[6], (D, D), dtype=jnp.float32) * s
    b_e2 = jnp.zeros((D,), dtype=jnp.float32)
    # phi_h: Linear(2*D -> D), SiLU, Linear(D -> D)
    W_h1 = jax.random.normal(ks[7], (2 * D, D), dtype=jnp.float32) * s
    b_h1 = jnp.zeros((D,), dtype=jnp.float32)
    W_h2 = jax.random.normal(ks[8], (D, D), dtype=jnp.float32) * s
    b_h2 = jnp.zeros((D,), dtype=jnp.float32)
    return {"X": X, "E": E, "emb_nodes": emb_nodes, "emb_edges": emb_edges,
            "edge_index": edge_index,
            "W_e1": W_e1, "b_e1": b_e1, "W_e2": W_e2, "b_e2": b_e2,
            "W_h1": W_h1, "b_h1": b_h1, "W_h2": W_h2, "b_h2": b_h2}


def reference(X, E, emb_nodes, emb_edges, edge_index,
              W_e1, b_e1, W_e2, b_e2, W_h1, b_h1, W_h2, b_h2):
    # IGNN wraps EGNN with equivariant=False, so phi_x / emb_nodes update is skipped.
    src = edge_index[0]
    dst = edge_index[1]
    diff = emb_nodes[dst] - emb_nodes[src]
    nrm = jnp.linalg.norm(diff, axis=-1, keepdims=True)
    h = jnp.concatenate([X[src], X[dst], nrm, emb_edges], axis=-1)
    mij = jax.nn.silu(jax.nn.silu(h @ W_e1 + b_e1) @ W_e2 + b_e2)
    mi = jax.ops.segment_sum(mij, dst, num_segments=X.shape[0])
    X_out = jax.nn.silu(jnp.concatenate([X, mi], axis=-1) @ W_h1 + b_h1) @ W_h2 + b_h2
    return (X_out, mij, emb_nodes, emb_edges)

if __name__ == "__main__":
    import jax
    _d = setup_inputs()
    print(jax.jit(kernel)(*tuple(_d.values())))

</pallas_src>

<mosaic_0001>
#map = affine_map<(d0, d1) -> (0, 0)>
#map1 = affine_map<(d0, d1) -> (0, 0, 0)>
module attributes {stable_mosaic.version = 14 : i64} {
  func.func @_scatter_body(%arg0: i32, %arg1: i32, %arg2: memref<320000x128xf32, #tpu.memory_space<hbm>>, %arg3: memref<5120x64xi32, #tpu.memory_space<hbm>>, %arg4: memref<10000x128xf32, #tpu.memory_space<hbm>>, %arg5: memref<2x10000x128xf32, #tpu.memory_space<hbm>>, %arg6: memref<80x64xi32, #tpu.memory_space<vmem>>, %arg7: memref<64x128xf32, #tpu.memory_space<vmem>>, %arg8: memref<64x128xf32, #tpu.memory_space<vmem>>, %arg9: memref<10000x128xf32, #tpu.memory_space<vmem_shared>>, %arg10: memref<!tpu.dma_semaphore, #tpu.memory_space<semaphore_mem>>, %arg11: memref<!tpu.dma_semaphore, #tpu.memory_space<semaphore_mem>>) attributes {dimension_semantics = [#tpu.dimension_semantics<core_parallel>, #tpu.dimension_semantics<subcore_parallel>], iteration_bounds = array<i64: 2, 16>, scalar_prefetch = 0 : i64, scratch_operands = 6 : i64, tpu.core_type = #tpu.core_type<sc_vector_subcore>, window_params = [{transform_indices = #map}, {transform_indices = #map}, {transform_indices = #map}, {transform_indices = #map1}]} {
    %eq3A = arith.constant 0 : i32
    %eq3A_0 = arith.cmpi eq, %arg1, %eq3A : i32
    %convert_element_type3A = arith.extui %eq3A_0 : i1 to i32
    %cond3A = arith.constant 0 : i32
    %cond3A_1 = arith.cmpi ne, %convert_element_type3A, %cond3A : i32
    scf.if %cond3A_1 {
      "tpu.region"() ({
        %run_scoped3A = tpu.sem_alloc : memref<!tpu.dma_semaphore, #tpu.memory_space<semaphore_mem>>
        tpu.enqueue_dma source(%arg4 : memref<10000x128xf32, #tpu.memory_space<hbm>>) target(%arg9 : memref<10000x128xf32, #tpu.memory_space<vmem_shared>>) target_semaphore(%run_scoped3A : memref<!tpu.dma_semaphore, #tpu.memory_space<semaphore_mem>>)
        tpu.wait_dma2 semaphore(%run_scoped3A : memref<!tpu.dma_semaphore, #tpu.memory_space<semaphore_mem>>) src(%arg4 : memref<10000x128xf32, #tpu.memory_space<hbm>>) dst(%arg9 : memref<10000x128xf32, #tpu.memory_space<vmem_shared>>)
        tpu.yield
      }) : () -> ()
    } else {
    }
    %mul3A = arith.constant 2 : i32
    %mul3A_2 = arith.muli %arg1, %mul3A : i32
    %add3A = arith.addi %mul3A_2, %arg0 : i32
    %barrier3A = arith.constant 0 : index
    tpu.barrier barrier_id(%barrier3A)
    %mul3A_3 = arith.constant 160 : i32
    %mul3A_4 = arith.muli %add3A, %mul3A_3 : i32
    %add3A_5 = arith.constant 0 : i32
    %add3A_6 = arith.addi %mul3A_4, %add3A_5 : i32
    "tpu.region"() ({
      %run_scoped3A = tpu.sem_alloc : memref<!tpu.dma_semaphore, #tpu.memory_space<semaphore_mem>>
      %dma_start3A = arith.constant 0 : i32
      %dma_start3A_35 = tpu.memref_slice %arg3[%add3A_6, %dma_start3A] : memref<5120x64xi32, #tpu.memory_space<hbm>> -> memref<80x64xi32, #tpu.memory_space<hbm>>
      %dma_start3A_36 = arith.constant 0 : i32
      %dma_start3A_37 = tpu.memref_slice %arg3[%add3A_6, %dma_start3A_36] : memref<5120x64xi32, #tpu.memory_space<hbm>> -> memref<80x64xi32, #tpu.memory_space<hbm>>
      tpu.enqueue_dma source(%dma_start3A_37 : memref<80x64xi32, #tpu.memory_space<hbm>>) target(%arg6 : memref<80x64xi32, #tpu.memory_space<vmem>>) target_semaphore(%run_scoped3A : memref<!tpu.dma_semaphore, #tpu.memory_space<semaphore_mem>>)
      %dma_wait3A = arith.constant 0 : i32
      %dma_wait3A_38 = tpu.memref_slice %arg3[%add3A_6, %dma_wait3A] : memref<5120x64xi32, #tpu.memory_space<hbm>> -> memref<80x64xi32, #tpu.memory_space<hbm>>
      %dma_wait3A_39 = arith.constant 0 : i32
      %dma_wait3A_40 = tpu.memref_slice %arg3[%add3A_6, %dma_wait3A_39] : memref<5120x64xi32, #tpu.memory_space<hbm>> -> memref<80x64xi32, #tpu.memory_space<hbm>>
      tpu.wait_dma2 semaphore(%run_scoped3A : memref<!tpu.dma_semaphore, #tpu.memory_space<semaphore_mem>>) src(%dma_wait3A_40 : memref<80x64xi32, #tpu.memory_space<hbm>>) dst(%arg6 : memref<80x64xi32, #tpu.memory_space<vmem>>)
      tpu.yield
    }) : () -> ()
    %lt3A = arith.constant 5000 : i32
    %lt3A_7 = arith.cmpi slt, %add3A_6, %lt3A : i32
    %convert_element_type3A_8 = arith.extui %lt3A_7 : i1 to i32
    %cond3A_9 = arith.constant 0 : i32
    %cond3A_10 = arith.cmpi ne, %convert_element_type3A_8, %cond3A_9 : i32
    scf.if %cond3A_10 {
      %mul3A_35 = arith.constant 64 : i32
      %mul3A_36 = arith.muli %add3A_6, %mul3A_35 : i32
      %dma_start3A = arith.constant 0 : i32
      %dma_start3A_37 = tpu.memref_slice %arg2[%mul3A_36, %dma_start3A] : memref<320000x128xf32, #tpu.memory_space<hbm>> -> memref<64x128xf32, #tpu.memory_space<hbm>>
      %dma_start3A_38 = arith.constant 0 : i32
      %dma_start3A_39 = tpu.memref_slice %arg2[%mul3A_36, %dma_start3A_38] : memref<320000x128xf32, #tpu.memory_space<hbm>> -> memref<64x128xf32, #tpu.memory_space<hbm>>
      tpu.enqueue_dma source(%dma_start3A_39 : memref<64x128xf32, #tpu.memory_space<hbm>>) target(%arg7 : memref<64x128xf32, #tpu.memory_space<vmem>>) target_semaphore(%arg10 : memref<!tpu.dma_semaphore, #tpu.memory_space<semaphore_mem>>)
    } else {
    }
    %scan3A = arith.constant 0 : i32
    %scan3A_11 = arith.constant 40 : i32
    %scan3A_12 = arith.addi %scan3A, %scan3A_11 : i32
    %scan3A_13 = arith.constant 1 : i32
    scf.for %scan3A_35 = %scan3A to %scan3A_12 step %scan3A_13  : i32 {
      %mul3A_36 = arith.constant 2 : i32
      %mul3A_37 = arith.muli %scan3A_35, %mul3A_36 : i32
      %add3A_38 = arith.constant 0 : i32
      %add3A_39 = arith.addi %add3A_38, %mul3A_37 : i32
      %add3A_40 = arith.addi %add3A_6, %add3A_39 : i32
      %add3A_41 = arith.constant 1 : i32
      %add3A_42 = arith.addi %add3A_40, %add3A_41 : i32
      %lt3A_43 = arith.constant 5000 : i32
      %lt3A_44 = arith.cmpi slt, %add3A_42, %lt3A_43 : i32
      %convert_element_type3A_45 = arith.extui %lt3A_44 : i1 to i32
      %cond3A_46 = arith.constant 0 : i32
      %cond3A_47 = arith.cmpi ne, %convert_element_type3A_45, %cond3A_46 : i32
      scf.if %cond3A_47 {
        %mul3A_69 = arith.constant 64 : i32
        %mul3A_70 = arith.muli %add3A_42, %mul3A_69 : i32
        %dma_start3A = arith.constant 0 : i32
        %dma_start3A_71 = tpu.memref_slice %arg2[%mul3A_70, %dma_start3A] : memref<320000x128xf32, #tpu.memory_space<hbm>> -> memref<64x128xf32, #tpu.memory_space<hbm>>
        %dma_start3A_72 = arith.constant 0 : i32
        %dma_start3A_73 = tpu.memref_slice %arg2[%mul3A_70, %dma_start3A_72] : memref<320000x128xf32, #tpu.memory_space<hbm>> -> memref<64x128xf32, #tpu.memory_space<hbm>>
        tpu.enqueue_dma source(%dma_start3A_73 : memref<64x128xf32, #tpu.memory_space<hbm>>) target(%arg8 : memref<64x128xf32, #tpu.memory_space<vmem>>) target_semaphore(%arg11 : memref<!tpu.dma_semaphore, #tpu.memory_space<semaphore_mem>>)
      } else {
      }
      %lt3A_48 = arith.constant 5000 : i32
      %lt3A_49 = arith.cmpi slt, %add3A_40, %lt3A_48 : i32
      %convert_element_type3A_50 = arith.extui %lt3A_49 : i1 to i32
      %cond3A_51 = arith.constant 0 : i32
      %cond3A_52 = arith.cmpi ne, %convert_element_type3A_50, %cond3A_51 : i32
      scf.if %cond3A_52 {
        %mul3A_69 = arith.constant 64 : i32
        %mul3A_70 = arith.muli %add3A_40, %mul3A_69 : i32
        %dma_wait3A = arith.constant 0 : i32
        %dma_wait3A_71 = tpu.memref_slice %arg2[%mul3A_70, %dma_wait3A] : memref<320000x128xf32, #tpu.memory_space<hbm>> -> memref<64x128xf32, #tpu.memory_space<hbm>>
        %dma_wait3A_72 = arith.constant 0 : i32
        %dma_wait3A_73 = tpu.memref_slice %arg2[%mul3A_70, %dma_wait3A_72] : memref<320000x128xf32, #tpu.memory_space<hbm>> -> memref<64x128xf32, #tpu.memory_space<hbm>>
        tpu.wait_dma2 semaphore(%arg10 : memref<!tpu.dma_semaphore, #tpu.memory_space<semaphore_mem>>) src(%dma_wait3A_73 : memref<64x128xf32, #tpu.memory_space<hbm>>) dst(%arg7 : memref<64x128xf32, #tpu.memory_space<vmem>>)
        "tpu.region"() ({
          %run_scoped3A = tpu.sem_alloc : memref<!tpu.dma_semaphore, #tpu.memory_space<semaphore_mem>>
          %dma_start3A = arith.constant 0 : i32
          %dma_start3A_74 = tpu.memref_slice %arg6[%add3A_39, %dma_start3A] : memref<80x64xi32, #tpu.memory_space<vmem>> -> memref<1x64xi32, #tpu.memory_space<vmem>>
          %dma_start3A_75 = tpu.memref_squeeze %dma_start3A_74 : memref<1x64xi32, #tpu.memory_space<vmem>> -> memref<64xi32, #tpu.memory_space<vmem>>
          %dma_start3A_76 = arith.constant 0 : i32
          %dma_start3A_77 = arith.constant 0 : i32
          %dma_start3A_78 = tpu.memref_slice %arg9[%dma_start3A_76, %dma_start3A_77] : memref<10000x128xf32, #tpu.memory_space<vmem_shared>> -> memref<10000x128xf32, #tpu.memory_space<vmem_shared>>
          tpu.enqueue_indirect_dma source(%arg7 : memref<64x128xf32, #tpu.memory_space<vmem>>) target(%dma_start3A_78 : memref<10000x128xf32, #tpu.memory_space<vmem_shared>>) offsets(%dma_start3A_75 : memref<64xi32, #tpu.memory_space<vmem>>) semaphore(%run_scoped3A : memref<!tpu.dma_semaphore, #tpu.memory_space<semaphore_mem>>) {add = true}
          %dma_wait3A_79 = arith.constant 0 : i32
          %dma_wait3A_80 = tpu.memref_slice %arg6[%add3A_39, %dma_wait3A_79] : memref<80x64xi32, #tpu.memory_space<vmem>> -> memref<1x64xi32, #tpu.memory_space<vmem>>
          %dma_wait3A_81 = tpu.memref_squeeze %dma_wait3A_80 : memref<1x64xi32, #tpu.memory_space<vmem>> -> memref<64xi32, #tpu.memory_space<vmem>>
          %dma_wait3A_82 = arith.constant 0 : i32
          %dma_wait3A_83 = arith.constant 0 : i32
          %dma_wait3A_84 = tpu.memref_slice %arg9[%dma_wait3A_82, %dma_wait3A_83] : memref<10000x128xf32, #tpu.memory_space<vmem_shared>> -> memref<10000x128xf32, #tpu.memory_space<vmem_shared>>
          tpu.wait_indirect_dma semaphore(%run_scoped3A : memref<!tpu.dma_semaphore, #tpu.memory_space<semaphore_mem>>) src(%arg7 : memref<64x128xf32, #tpu.memory_space<vmem>>) dst(%dma_wait3A_84 : memref<10000x128xf32, #tpu.memory_space<vmem_shared>>)
          tpu.yield
        }) : () -> ()
      } else {
      }
      %add3A_53 = arith.constant 2 : i32
      %add3A_54 = arith.addi %add3A_39, %add3A_53 : i32
      %lt3A_55 = arith.constant 80 : i32
      %lt3A_56 = arith.cmpi slt, %add3A_54, %lt3A_55 : i32
      %add3A_57 = arith.constant 2 : i32
      %add3A_58 = arith.addi %add3A_40, %add3A_57 : i32
      %lt3A_59 = arith.constant 5000 : i32
      %lt3A_60 = arith.cmpi slt, %add3A_58, %lt3A_59 : i32
      %and3A = arith.andi %lt3A_56, %lt3A_60 : i1
      %convert_element_type3A_61 = arith.extui %and3A : i1 to i32
      %cond3A_62 = arith.constant 0 : i32
      %cond3A_63 = arith.cmpi ne, %convert_element_type3A_61, %cond3A_62 : i32
      scf.if %cond3A_63 {
        %add3A_69 = arith.constant 2 : i32
        %add3A_70 = arith.addi %add3A_40, %add3A_69 : i32
        %mul3A_71 = arith.constant 64 : i32
        %mul3A_72 = arith.muli %add3A_70, %mul3A_71 : i32
        %dma_start3A = arith.constant 0 : i32
        %dma_start3A_73 = tpu.memref_slice %arg2[%mul3A_72, %dma_start3A] : memref<320000x128xf32, #tpu.memory_space<hbm>> -> memref<64x128xf32, #tpu.memory_space<hbm>>
        %dma_start3A_74 = arith.constant 0 : i32
        %dma_start3A_75 = tpu.memref_slice %arg2[%mul3A_72, %dma_start3A_74] : memref<320000x128xf32, #tpu.memory_space<hbm>> -> memref<64x128xf32, #tpu.memory_space<hbm>>
        tpu.enqueue_dma source(%dma_start3A_75 : memref<64x128xf32, #tpu.memory_space<hbm>>) target(%arg7 : memref<64x128xf32, #tpu.memory_space<vmem>>) target_semaphore(%arg10 : memref<!tpu.dma_semaphore, #tpu.memory_space<semaphore_mem>>)
      } else {
      }
      %lt3A_64 = arith.constant 5000 : i32
      %lt3A_65 = arith.cmpi slt, %add3A_42, %lt3A_64 : i32
      %convert_element_type3A_66 = arith.extui %lt3A_65 : i1 to i32
      %cond3A_67 = arith.constant 0 : i32
      %cond3A_68 = arith.cmpi ne, %convert_element_type3A_66, %cond3A_67 : i32
      scf.if %cond3A_68 {
        %add3A_69 = arith.constant 1 : i32
        %add3A_70 = arith.addi %add3A_39, %add3A_69 : i32
        %mul3A_71 = arith.constant 64 : i32
        %mul3A_72 = arith.muli %add3A_42, %mul3A_71 : i32
        %dma_wait3A = arith.constant 0 : i32
        %dma_wait3A_73 = tpu.memref_slice %arg2[%mul3A_72, %dma_wait3A] : memref<320000x128xf32, #tpu.memory_space<hbm>> -> memref<64x128xf32, #tpu.memory_space<hbm>>
        %dma_wait3A_74 = arith.constant 0 : i32
        %dma_wait3A_75 = tpu.memref_slice %arg2[%mul3A_72, %dma_wait3A_74] : memref<320000x128xf32, #tpu.memory_space<hbm>> -> memref<64x128xf32, #tpu.memory_space<hbm>>
        tpu.wait_dma2 semaphore(%arg11 : memref<!tpu.dma_semaphore, #tpu.memory_space<semaphore_mem>>) src(%dma_wait3A_75 : memref<64x128xf32, #tpu.memory_space<hbm>>) dst(%arg8 : memref<64x128xf32, #tpu.memory_space<vmem>>)
        "tpu.region"() ({
          %run_scoped3A = tpu.sem_alloc : memref<!tpu.dma_semaphore, #tpu.memory_space<semaphore_mem>>
          %dma_start3A = arith.constant 0 : i32
          %dma_start3A_76 = tpu.memref_slice %arg6[%add3A_70, %dma_start3A] : memref<80x64xi32, #tpu.memory_space<vmem>> -> memref<1x64xi32, #tpu.memory_space<vmem>>
          %dma_start3A_77 = tpu.memref_squeeze %dma_start3A_76 : memref<1x64xi32, #tpu.memory_space<vmem>> -> memref<64xi32, #tpu.memory_space<vmem>>
          %dma_start3A_78 = arith.constant 0 : i32
          %dma_start3A_79 = arith.constant 0 : i32
          %dma_start3A_80 = tpu.memref_slice %arg9[%dma_start3A_78, %dma_start3A_79] : memref<10000x128xf32, #tpu.memory_space<vmem_shared>> -> memref<10000x128xf32, #tpu.memory_space<vmem_shared>>
          tpu.enqueue_indirect_dma source(%arg8 : memref<64x128xf32, #tpu.memory_space<vmem>>) target(%dma_start3A_80 : memref<10000x128xf32, #tpu.memory_space<vmem_shared>>) offsets(%dma_start3A_77 : memref<64xi32, #tpu.memory_space<vmem>>) semaphore(%run_scoped3A : memref<!tpu.dma_semaphore, #tpu.memory_space<semaphore_mem>>) {add = true}
          %dma_wait3A_81 = arith.constant 0 : i32
          %dma_wait3A_82 = tpu.memref_slice %arg6[%add3A_70, %dma_wait3A_81] : memref<80x64xi32, #tpu.memory_space<vmem>> -> memref<1x64xi32, #tpu.memory_space<vmem>>
          %dma_wait3A_83 = tpu.memref_squeeze %dma_wait3A_82 : memref<1x64xi32, #tpu.memory_space<vmem>> -> memref<64xi32, #tpu.memory_space<vmem>>
          %dma_wait3A_84 = arith.constant 0 : i32
          %dma_wait3A_85 = arith.constant 0 : i32
          %dma_wait3A_86 = tpu.memref_slice %arg9[%dma_wait3A_84, %dma_wait3A_85] : memref<10000x128xf32, #tpu.memory_space<vmem_shared>> -> memref<10000x128xf32, #tpu.memory_space<vmem_shared>>
          tpu.wait_indirect_dma semaphore(%run_scoped3A : memref<!tpu.dma_semaphore, #tpu.memory_space<semaphore_mem>>) src(%arg8 : memref<64x128xf32, #tpu.memory_space<vmem>>) dst(%dma_wait3A_86 : memref<10000x128xf32, #tpu.memory_space<vmem_shared>>)
          tpu.yield
        }) : () -> ()
      } else {
      }
    }
    %scan3A_14 = arith.constant 40 : i32
    %mul3A_15 = arith.constant 160 : i32
    %mul3A_16 = arith.muli %add3A, %mul3A_15 : i32
    %add3A_17 = arith.constant 80 : i32
    %add3A_18 = arith.addi %mul3A_16, %add3A_17 : i32
    "tpu.region"() ({
      %run_scoped3A = tpu.sem_alloc : memref<!tpu.dma_semaphore, #tpu.memory_space<semaphore_mem>>
      %dma_start3A = arith.constant 0 : i32
      %dma_start3A_35 = tpu.memref_slice %arg3[%add3A_18, %dma_start3A] : memref<5120x64xi32, #tpu.memory_space<hbm>> -> memref<80x64xi32, #tpu.memory_space<hbm>>
      %dma_start3A_36 = arith.constant 0 : i32
      %dma_start3A_37 = tpu.memref_slice %arg3[%add3A_18, %dma_start3A_36] : memref<5120x64xi32, #tpu.memory_space<hbm>> -> memref<80x64xi32, #tpu.memory_space<hbm>>
      tpu.enqueue_dma source(%dma_start3A_37 : memref<80x64xi32, #tpu.memory_space<hbm>>) target(%arg6 : memref<80x64xi32, #tpu.memory_space<vmem>>) target_semaphore(%run_scoped3A : memref<!tpu.dma_semaphore, #tpu.memory_space<semaphore_mem>>)
      %dma_wait3A = arith.constant 0 : i32
      %dma_wait3A_38 = tpu.memref_slice %arg3[%add3A_18, %dma_wait3A] : memref<5120x64xi32, #tpu.memory_space<hbm>> -> memref<80x64xi32, #tpu.memory_space<hbm>>
      %dma_wait3A_39 = arith.constant 0 : i32
      %dma_wait3A_40 = tpu.memref_slice %arg3[%add3A_18, %dma_wait3A_39] : memref<5120x64xi32, #tpu.memory_space<hbm>> -> memref<80x64xi32, #tpu.memory_space<hbm>>
      tpu.wait_dma2 semaphore(%run_scoped3A : memref<!tpu.dma_semaphore, #tpu.memory_space<semaphore_mem>>) src(%dma_wait3A_40 : memref<80x64xi32, #tpu.memory_space<hbm>>) dst(%arg6 : memref<80x64xi32, #tpu.memory_space<vmem>>)
      tpu.yield
    }) : () -> ()
    %lt3A_19 = arith.constant 5000 : i32
    %lt3A_20 = arith.cmpi slt, %add3A_18, %lt3A_19 : i32
    %convert_element_type3A_21 = arith.extui %lt3A_20 : i1 to i32
    %cond3A_22 = arith.constant 0 : i32
    %cond3A_23 = arith.cmpi ne, %convert_element_type3A_21, %cond3A_22 : i32
    scf.if %cond3A_23 {
      %mul3A_35 = arith.constant 64 : i32
      %mul3A_36 = arith.muli %add3A_18, %mul3A_35 : i32
      %dma_start3A = arith.constant 0 : i32
      %dma_start3A_37 = tpu.memref_slice %arg2[%mul3A_36, %dma_start3A] : memref<320000x128xf32, #tpu.memory_space<hbm>> -> memref<64x128xf32, #tpu.memory_space<hbm>>
      %dma_start3A_38 = arith.constant 0 : i32
      %dma_start3A_39 = tpu.memref_slice %arg2[%mul3A_36, %dma_start3A_38] : memref<320000x128xf32, #tpu.memory_space<hbm>> -> memref<64x128xf32, #tpu.memory_space<hbm>>
      tpu.enqueue_dma source(%dma_start3A_39 : memref<64x128xf32, #tpu.memory_space<hbm>>) target(%arg7 : memref<64x128xf32, #tpu.memory_space<vmem>>) target_semaphore(%arg10 : memref<!tpu.dma_semaphore, #tpu.memory_space<semaphore_mem>>)
    } else {
    }
    %scan3A_24 = arith.constant 0 : i32
    %scan3A_25 = arith.constant 40 : i32
    %scan3A_26 = arith.addi %scan3A_24, %scan3A_25 : i32
    %scan3A_27 = arith.constant 1 : i32
    scf.for %scan3A_35 = %scan3A_24 to %scan3A_26 step %scan3A_27  : i32 {
      %mul3A_36 = arith.constant 2 : i32
      %mul3A_37 = arith.muli %scan3A_35, %mul3A_36 : i32
      %add3A_38 = arith.constant 0 : i32
      %add3A_39 = arith.addi %add3A_38, %mul3A_37 : i32
      %add3A_40 = arith.addi %add3A_18, %add3A_39 : i32
      %add3A_41 = arith.constant 1 : i32
      %add3A_42 = arith.addi %add3A_40, %add3A_41 : i32
      %lt3A_43 = arith.constant 5000 : i32
      %lt3A_44 = arith.cmpi slt, %add3A_42, %lt3A_43 : i32
      %convert_element_type3A_45 = arith.extui %lt3A_44 : i1 to i32
      %cond3A_46 = arith.constant 0 : i32
      %cond3A_47 = arith.cmpi ne, %convert_element_type3A_45, %cond3A_46 : i32
      scf.if %cond3A_47 {
        %mul3A_69 = arith.constant 64 : i32
        %mul3A_70 = arith.muli %add3A_42, %mul3A_69 : i32
        %dma_start3A = arith.constant 0 : i32
        %dma_start3A_71 = tpu.memref_slice %arg2[%mul3A_70, %dma_start3A] : memref<320000x128xf32, #tpu.memory_space<hbm>> -> memref<64x128xf32, #tpu.memory_space<hbm>>
        %dma_start3A_72 = arith.constant 0 : i32
        %dma_start3A_73 = tpu.memref_slice %arg2[%mul3A_70, %dma_start3A_72] : memref<320000x128xf32, #tpu.memory_space<hbm>> -> memref<64x128xf32, #tpu.memory_space<hbm>>
        tpu.enqueue_dma source(%dma_start3A_73 : memref<64x128xf32, #tpu.memory_space<hbm>>) target(%arg8 : memref<64x128xf32, #tpu.memory_space<vmem>>) target_semaphore(%arg11 : memref<!tpu.dma_semaphore, #tpu.memory_space<semaphore_mem>>)
      } else {
      }
      %lt3A_48 = arith.constant 5000 : i32
      %lt3A_49 = arith.cmpi slt, %add3A_40, %lt3A_48 : i32
      %convert_element_type3A_50 = arith.extui %lt3A_49 : i1 to i32
      %cond3A_51 = arith.constant 0 : i32
      %cond3A_52 = arith.cmpi ne, %convert_element_type3A_50, %cond3A_51 : i32
      scf.if %cond3A_52 {
        %mul3A_69 = arith.constant 64 : i32
        %mul3A_70 = arith.muli %add3A_40, %mul3A_69 : i32
        %dma_wait3A = arith.constant 0 : i32
        %dma_wait3A_71 = tpu.memref_slice %arg2[%mul3A_70, %dma_wait3A] : memref<320000x128xf32, #tpu.memory_space<hbm>> -> memref<64x128xf32, #tpu.memory_space<hbm>>
        %dma_wait3A_72 = arith.constant 0 : i32
        %dma_wait3A_73 = tpu.memref_slice %arg2[%mul3A_70, %dma_wait3A_72] : memref<320000x128xf32, #tpu.memory_space<hbm>> -> memref<64x128xf32, #tpu.memory_space<hbm>>
        tpu.wait_dma2 semaphore(%arg10 : memref<!tpu.dma_semaphore, #tpu.memory_space<semaphore_mem>>) src(%dma_wait3A_73 : memref<64x128xf32, #tpu.memory_space<hbm>>) dst(%arg7 : memref<64x128xf32, #tpu.memory_space<vmem>>)
        "tpu.region"() ({
          %run_scoped3A = tpu.sem_alloc : memref<!tpu.dma_semaphore, #tpu.memory_space<semaphore_mem>>
          %dma_start3A = arith.constant 0 : i32
          %dma_start3A_74 = tpu.memref_slice %arg6[%add3A_39, %dma_start3A] : memref<80x64xi32, #tpu.memory_space<vmem>> -> memref<1x64xi32, #tpu.memory_space<vmem>>
          %dma_start3A_75 = tpu.memref_squeeze %dma_start3A_74 : memref<1x64xi32, #tpu.memory_space<vmem>> -> memref<64xi32, #tpu.memory_space<vmem>>
          %dma_start3A_76 = arith.constant 0 : i32
          %dma_start3A_77 = arith.constant 0 : i32
          %dma_start3A_78 = tpu.memref_slice %arg9[%dma_start3A_76, %dma_start3A_77] : memref<10000x128xf32, #tpu.memory_space<vmem_shared>> -> memref<10000x128xf32, #tpu.memory_space<vmem_shared>>
          tpu.enqueue_indirect_dma source(%arg7 : memref<64x128xf32, #tpu.memory_space<vmem>>) target(%dma_start3A_78 : memref<10000x128xf32, #tpu.memory_space<vmem_shared>>) offsets(%dma_start3A_75 : memref<64xi32, #tpu.memory_space<vmem>>) semaphore(%run_scoped3A : memref<!tpu.dma_semaphore, #tpu.memory_space<semaphore_mem>>) {add = true}
          %dma_wait3A_79 = arith.constant 0 : i32
          %dma_wait3A_80 = tpu.memref_slice %arg6[%add3A_39, %dma_wait3A_79] : memref<80x64xi32, #tpu.memory_space<vmem>> -> memref<1x64xi32, #tpu.memory_space<vmem>>
          %dma_wait3A_81 = tpu.memref_squeeze %dma_wait3A_80 : memref<1x64xi32, #tpu.memory_space<vmem>> -> memref<64xi32, #tpu.memory_space<vmem>>
          %dma_wait3A_82 = arith.constant 0 : i32
          %dma_wait3A_83 = arith.constant 0 : i32
          %dma_wait3A_84 = tpu.memref_slice %arg9[%dma_wait3A_82, %dma_wait3A_83] : memref<10000x128xf32, #tpu.memory_space<vmem_shared>> -> memref<10000x128xf32, #tpu.memory_space<vmem_shared>>
          tpu.wait_indirect_dma semaphore(%run_scoped3A : memref<!tpu.dma_semaphore, #tpu.memory_space<semaphore_mem>>) src(%arg7 : memref<64x128xf32, #tpu.memory_space<vmem>>) dst(%dma_wait3A_84 : memref<10000x128xf32, #tpu.memory_space<vmem_shared>>)
          tpu.yield
        }) : () -> ()
      } else {
      }
      %add3A_53 = arith.constant 2 : i32
      %add3A_54 = arith.addi %add3A_39, %add3A_53 : i32
      %lt3A_55 = arith.constant 80 : i32
      %lt3A_56 = arith.cmpi slt, %add3A_54, %lt3A_55 : i32
      %add3A_57 = arith.constant 2 : i32
      %add3A_58 = arith.addi %add3A_40, %add3A_57 : i32
      %lt3A_59 = arith.constant 5000 : i32
      %lt3A_60 = arith.cmpi slt, %add3A_58, %lt3A_59 : i32
      %and3A = arith.andi %lt3A_56, %lt3A_60 : i1
      %convert_element_type3A_61 = arith.extui %and3A : i1 to i32
      %cond3A_62 = arith.constant 0 : i32
      %cond3A_63 = arith.cmpi ne, %convert_element_type3A_61, %cond3A_62 : i32
      scf.if %cond3A_63 {
        %add3A_69 = arith.constant 2 : i32
        %add3A_70 = arith.addi %add3A_40, %add3A_69 : i32
        %mul3A_71 = arith.constant 64 : i32
        %mul3A_72 = arith.muli %add3A_70, %mul3A_71 : i32
        %dma_start3A = arith.constant 0 : i32
        %dma_start3A_73 = tpu.memref_slice %arg2[%mul3A_72, %dma_start3A] : memref<320000x128xf32, #tpu.memory_space<hbm>> -> memref<64x128xf32, #tpu.memory_space<hbm>>
        %dma_start3A_74 = arith.constant 0 : i32
        %dma_start3A_75 = tpu.memref_slice %arg2[%mul3A_72, %dma_start3A_74] : memref<320000x128xf32, #tpu.memory_space<hbm>> -> memref<64x128xf32, #tpu.memory_space<hbm>>
        tpu.enqueue_dma source(%dma_start3A_75 : memref<64x128xf32, #tpu.memory_space<hbm>>) target(%arg7 : memref<64x128xf32, #tpu.memory_space<vmem>>) target_semaphore(%arg10 : memref<!tpu.dma_semaphore, #tpu.memory_space<semaphore_mem>>)
      } else {
      }
      %lt3A_64 = arith.constant 5000 : i32
      %lt3A_65 = arith.cmpi slt, %add3A_42, %lt3A_64 : i32
      %convert_element_type3A_66 = arith.extui %lt3A_65 : i1 to i32
      %cond3A_67 = arith.constant 0 : i32
      %cond3A_68 = arith.cmpi ne, %convert_element_type3A_66, %cond3A_67 : i32
      scf.if %cond3A_68 {
        %add3A_69 = arith.constant 1 : i32
        %add3A_70 = arith.addi %add3A_39, %add3A_69 : i32
        %mul3A_71 = arith.constant 64 : i32
        %mul3A_72 = arith.muli %add3A_42, %mul3A_71 : i32
        %dma_wait3A = arith.constant 0 : i32
        %dma_wait3A_73 = tpu.memref_slice %arg2[%mul3A_72, %dma_wait3A] : memref<320000x128xf32, #tpu.memory_space<hbm>> -> memref<64x128xf32, #tpu.memory_space<hbm>>
        %dma_wait3A_74 = arith.constant 0 : i32
        %dma_wait3A_75 = tpu.memref_slice %arg2[%mul3A_72, %dma_wait3A_74] : memref<320000x128xf32, #tpu.memory_space<hbm>> -> memref<64x128xf32, #tpu.memory_space<hbm>>
        tpu.wait_dma2 semaphore(%arg11 : memref<!tpu.dma_semaphore, #tpu.memory_space<semaphore_mem>>) src(%dma_wait3A_75 : memref<64x128xf32, #tpu.memory_space<hbm>>) dst(%arg8 : memref<64x128xf32, #tpu.memory_space<vmem>>)
        "tpu.region"() ({
          %run_scoped3A = tpu.sem_alloc : memref<!tpu.dma_semaphore, #tpu.memory_space<semaphore_mem>>
          %dma_start3A = arith.constant 0 : i32
          %dma_start3A_76 = tpu.memref_slice %arg6[%add3A_70, %dma_start3A] : memref<80x64xi32, #tpu.memory_space<vmem>> -> memref<1x64xi32, #tpu.memory_space<vmem>>
          %dma_start3A_77 = tpu.memref_squeeze %dma_start3A_76 : memref<1x64xi32, #tpu.memory_space<vmem>> -> memref<64xi32, #tpu.memory_space<vmem>>
          %dma_start3A_78 = arith.constant 0 : i32
          %dma_start3A_79 = arith.constant 0 : i32
          %dma_start3A_80 = tpu.memref_slice %arg9[%dma_start3A_78, %dma_start3A_79] : memref<10000x128xf32, #tpu.memory_space<vmem_shared>> -> memref<10000x128xf32, #tpu.memory_space<vmem_shared>>
          tpu.enqueue_indirect_dma source(%arg8 : memref<64x128xf32, #tpu.memory_space<vmem>>) target(%dma_start3A_80 : memref<10000x128xf32, #tpu.memory_space<vmem_shared>>) offsets(%dma_start3A_77 : memref<64xi32, #tpu.memory_space<vmem>>) semaphore(%run_scoped3A : memref<!tpu.dma_semaphore, #tpu.memory_space<semaphore_mem>>) {add = true}
          %dma_wait3A_81 = arith.constant 0 : i32
          %dma_wait3A_82 = tpu.memref_slice %arg6[%add3A_70, %dma_wait3A_81] : memref<80x64xi32, #tpu.memory_space<vmem>> -> memref<1x64xi32, #tpu.memory_space<vmem>>
          %dma_wait3A_83 = tpu.memref_squeeze %dma_wait3A_82 : memref<1x64xi32, #tpu.memory_space<vmem>> -> memref<64xi32, #tpu.memory_space<vmem>>
          %dma_wait3A_84 = arith.constant 0 : i32
          %dma_wait3A_85 = arith.constant 0 : i32
          %dma_wait3A_86 = tpu.memref_slice %arg9[%dma_wait3A_84, %dma_wait3A_85] : memref<10000x128xf32, #tpu.memory_space<vmem_shared>> -> memref<10000x128xf32, #tpu.memory_space<vmem_shared>>
          tpu.wait_indirect_dma semaphore(%run_scoped3A : memref<!tpu.dma_semaphore, #tpu.memory_space<semaphore_mem>>) src(%arg8 : memref<64x128xf32, #tpu.memory_space<vmem>>) dst(%dma_wait3A_86 : memref<10000x128xf32, #tpu.memory_space<vmem_shared>>)
          tpu.yield
        }) : () -> ()
      } else {
      }
    }
    %scan3A_28 = arith.constant 40 : i32
    %barrier3A_29 = arith.constant 0 : index
    tpu.barrier barrier_id(%barrier3A_29)
    %eq3A_30 = arith.constant 0 : i32
    %eq3A_31 = arith.cmpi eq, %arg1, %eq3A_30 : i32
    %convert_element_type3A_32 = arith.extui %eq3A_31 : i1 to i32
    %cond3A_33 = arith.constant 0 : i32
    %cond3A_34 = arith.cmpi ne, %convert_element_type3A_32, %cond3A_33 : i32
    scf.if %cond3A_34 {
      "tpu.region"() ({
        %run_scoped3A = tpu.sem_alloc : memref<!tpu.dma_semaphore, #tpu.memory_space<semaphore_mem>>
        %dma_start3A = arith.constant 0 : i32
        %dma_start3A_35 = arith.constant 0 : i32
        %dma_start3A_36 = tpu.memref_slice %arg5[%arg0, %dma_start3A, %dma_start3A_35] : memref<2x10000x128xf32, #tpu.memory_space<hbm>> -> memref<1x10000x128xf32, #tpu.memory_space<hbm>>
        %dma_start3A_37 = tpu.memref_squeeze %dma_start3A_36 : memref<1x10000x128xf32, #tpu.memory_space<hbm>> -> memref<10000x128xf32, #tpu.memory_space<hbm>>
        tpu.enqueue_dma source(%arg9 : memref<10000x128xf32, #tpu.memory_space<vmem_shared>>) target(%dma_start3A_37 : memref<10000x128xf32, #tpu.memory_space<hbm>>) target_semaphore(%run_scoped3A : memref<!tpu.dma_semaphore, #tpu.memory_space<semaphore_mem>>)
        %dma_wait3A = arith.constant 0 : i32
        %dma_wait3A_38 = arith.constant 0 : i32
        %dma_wait3A_39 = tpu.memref_slice %arg5[%arg0, %dma_wait3A, %dma_wait3A_38] : memref<2x10000x128xf32, #tpu.memory_space<hbm>> -> memref<1x10000x128xf32, #tpu.memory_space<hbm>>
        %dma_wait3A_40 = tpu.memref_squeeze %dma_wait3A_39 : memref<1x10000x128xf32, #tpu.memory_space<hbm>> -> memref<10000x128xf32, #tpu.memory_space<hbm>>
        tpu.wait_dma2 semaphore(%run_scoped3A : memref<!tpu.dma_semaphore, #tpu.memory_space<semaphore_mem>>) src(%arg9 : memref<10000x128xf32, #tpu.memory_space<vmem_shared>>) dst(%dma_wait3A_40 : memref<10000x128xf32, #tpu.memory_space<hbm>>)
        tpu.yield
      }) : () -> ()
    } else {
    }
    return
  }
}

#map = affine_map<(d0, d1) -> (0, 0)>
#map1 = affine_map<(d0, d1) -> (0)>
module attributes {stable_mosaic.version = 14 : i64} {
  func.func @_gather_body(%arg0: i32, %arg1: i32, %arg2: memref<10000x128xf32, #tpu.memory_space<hbm>>, %arg3: memref<10000x128xf32, #tpu.memory_space<hbm>>, %arg4: memref<2560x128xi32, #tpu.memory_space<hbm>>, %arg5: memref<2560x128xi32, #tpu.memory_space<hbm>>, %arg6: memref<30000xf32, #tpu.memory_space<hbm>>, %arg7: memref<320000x128xf32, #tpu.memory_space<hbm>>, %arg8: memref<320000x128xf32, #tpu.memory_space<hbm>>, %arg9: memref<320000x8xf32, #tpu.memory_space<hbm>>, %arg10: memref<80x128xi32, #tpu.memory_space<vmem>>, %arg11: memref<80x128xi32, #tpu.memory_space<vmem>>, %arg12: memref<128x128xf32, #tpu.memory_space<vmem>>, %arg13: memref<128x128xf32, #tpu.memory_space<vmem>>, %arg14: memref<30000xf32, #tpu.memory_space<vmem>>, %arg15: memref<128x8xf32, #tpu.memory_space<vmem>>, %arg16: memref<!tpu.dma_semaphore, #tpu.memory_space<semaphore_mem>>, %arg17: memref<!tpu.dma_semaphore, #tpu.memory_space<semaphore_mem>>) attributes {dimension_semantics = [#tpu.dimension_semantics<core_parallel>, #tpu.dimension_semantics<subcore_parallel>], iteration_bounds = array<i64: 2, 16>, scalar_prefetch = 0 : i64, scratch_operands = 8 : i64, tpu.core_type = #tpu.core_type<sc_vector_subcore>, window_params = [{transform_indices = #map}, {transform_indices = #map}, {transform_indices = #map}, {transform_indices = #map}, {transform_indices = #map1}, {transform_indices = #map}, {transform_indices = #map}, {transform_indices = #map}]} {
    %mul3A = arith.constant 2 : i32
    %mul3A_0 = arith.muli %arg1, %mul3A : i32
    %add3A = arith.addi %mul3A_0, %arg0 : i32
    %mul3A_1 = arith.constant 80 : i32
    %mul3A_2 = arith.muli %add3A, %mul3A_1 : i32
    "tpu.region"() ({
      %run_scoped3A = tpu.sem_alloc : memref<!tpu.dma_semaphore, #tpu.memory_space<semaphore_mem>>
      %dma_start3A = arith.constant 0 : i32
      %dma_start3A_10 = tpu.memref_slice %arg4[%mul3A_2, %dma_start3A] : memref<2560x128xi32, #tpu.memory_space<hbm>> -> memref<80x128xi32, #tpu.memory_space<hbm>>
      %dma_start3A_11 = arith.constant 0 : i32
      %dma_start3A_12 = tpu.memref_slice %arg4[%mul3A_2, %dma_start3A_11] : memref<2560x128xi32, #tpu.memory_space<hbm>> -> memref<80x128xi32, #tpu.memory_space<hbm>>
      tpu.enqueue_dma source(%dma_start3A_12 : memref<80x128xi32, #tpu.memory_space<hbm>>) target(%arg10 : memref<80x128xi32, #tpu.memory_space<vmem>>) target_semaphore(%run_scoped3A : memref<!tpu.dma_semaphore, #tpu.memory_space<semaphore_mem>>)
      %dma_wait3A = arith.constant 0 : i32
      %dma_wait3A_13 = tpu.memref_slice %arg4[%mul3A_2, %dma_wait3A] : memref<2560x128xi32, #tpu.memory_space<hbm>> -> memref<80x128xi32, #tpu.memory_space<hbm>>
      %dma_wait3A_14 = arith.constant 0 : i32
      %dma_wait3A_15 = tpu.memref_slice %arg4[%mul3A_2, %dma_wait3A_14] : memref<2560x128xi32, #tpu.memory_space<hbm>> -> memref<80x128xi32, #tpu.memory_space<hbm>>
      tpu.wait_dma2 semaphore(%run_scoped3A : memref<!tpu.dma_semaphore, #tpu.memory_space<semaphore_mem>>) src(%dma_wait3A_15 : memref<80x128xi32, #tpu.memory_space<hbm>>) dst(%arg10 : memref<80x128xi32, #tpu.memory_space<vmem>>)
      tpu.yield
    }) : () -> ()
    %mul3A_3 = arith.constant 80 : i32
    %mul3A_4 = arith.muli %add3A, %mul3A_3 : i32
    "tpu.region"() ({
      %run_scoped3A = tpu.sem_alloc : memref<!tpu.dma_semaphore, #tpu.memory_space<semaphore_mem>>
      %dma_start3A = arith.constant 0 : i32
      %dma_start3A_10 = tpu.memref_slice %arg5[%mul3A_4, %dma_start3A] : memref<2560x128xi32, #tpu.memory_space<hbm>> -> memref<80x128xi32, #tpu.memory_space<hbm>>
      %dma_start3A_11 = arith.constant 0 : i32
      %dma_start3A_12 = tpu.memref_slice %arg5[%mul3A_4, %dma_start3A_11] : memref<2560x128xi32, #tpu.memory_space<hbm>> -> memref<80x128xi32, #tpu.memory_space<hbm>>
      tpu.enqueue_dma source(%dma_start3A_12 : memref<80x128xi32, #tpu.memory_space<hbm>>) target(%arg11 : memref<80x128xi32, #tpu.memory_space<vmem>>) target_semaphore(%run_scoped3A : memref<!tpu.dma_semaphore, #tpu.memory_space<semaphore_mem>>)
      %dma_wait3A = arith.constant 0 : i32
      %dma_wait3A_13 = tpu.memref_slice %arg5[%mul3A_4, %dma_wait3A] : memref<2560x128xi32, #tpu.memory_space<hbm>> -> memref<80x128xi32, #tpu.memory_space<hbm>>
      %dma_wait3A_14 = arith.constant 0 : i32
      %dma_wait3A_15 = tpu.memref_slice %arg5[%mul3A_4, %dma_wait3A_14] : memref<2560x128xi32, #tpu.memory_space<hbm>> -> memref<80x128xi32, #tpu.memory_space<hbm>>
      tpu.wait_dma2 semaphore(%run_scoped3A : memref<!tpu.dma_semaphore, #tpu.memory_space<semaphore_mem>>) src(%dma_wait3A_15 : memref<80x128xi32, #tpu.memory_space<hbm>>) dst(%arg11 : memref<80x128xi32, #tpu.memory_space<vmem>>)
      tpu.yield
    }) : () -> ()
    "tpu.region"() ({
      %run_scoped3A = tpu.sem_alloc : memref<!tpu.dma_semaphore, #tpu.memory_space<semaphore_mem>>
      tpu.enqueue_dma source(%arg6 : memref<30000xf32, #tpu.memory_space<hbm>>) target(%arg14 : memref<30000xf32, #tpu.memory_space<vmem>>) target_semaphore(%run_scoped3A : memref<!tpu.dma_semaphore, #tpu.memory_space<semaphore_mem>>)
      tpu.wait_dma2 semaphore(%run_scoped3A : memref<!tpu.dma_semaphore, #tpu.memory_space<semaphore_mem>>) src(%arg6 : memref<30000xf32, #tpu.memory_space<hbm>>) dst(%arg14 : memref<30000xf32, #tpu.memory_space<vmem>>)
      tpu.yield
    }) : () -> ()
    %iota3A = tpu.iota {dimensions = array<i32: 0>} : vector<16xi32>
    %broadcast_in_dim3A = arith.constant 0 : i32
    %broadcast_in_dim3A_5 = vector.broadcast %broadcast_in_dim3A : i32 to vector<16xi32>
    %scan3A = arith.constant 0 : i32
    %scan3A_6 = arith.constant 80 : i32
    %scan3A_7 = arith.addi %scan3A, %scan3A_6 : i32
    %scan3A_8 = arith.constant 1 : i32
    scf.for %scan3A_10 = %scan3A to %scan3A_7 step %scan3A_8  : i32 {
      %mul3A_11 = arith.constant 1 : i32
      %mul3A_12 = arith.muli %scan3A_10, %mul3A_11 : i32
      %add3A_13 = arith.constant 0 : i32
      %add3A_14 = arith.addi %add3A_13, %mul3A_12 : i32
      %mul3A_15 = arith.constant 80 : i32
      %mul3A_16 = arith.muli %add3A, %mul3A_15 : i32
      %add3A_17 = arith.addi %mul3A_16, %add3A_14 : i32
      %lt3A = arith.constant 2500 : i32
      %lt3A_18 = arith.cmpi slt, %add3A_17, %lt3A : i32
      %convert_element_type3A = arith.extui %lt3A_18 : i1 to i32
      %cond3A = arith.constant 0 : i32
      %cond3A_19 = arith.cmpi ne, %convert_element_type3A, %cond3A : i32
      scf.if %cond3A_19 {
        %mul3A_20 = arith.constant 128 : i32
        %mul3A_21 = arith.muli %add3A_17, %mul3A_20 : i32
        %dma_start3A = arith.constant 0 : i32
        %dma_start3A_22 = tpu.memref_slice %arg10[%add3A_14, %dma_start3A] : memref<80x128xi32, #tpu.memory_space<vmem>> -> memref<1x128xi32, #tpu.memory_space<vmem>>
        %dma_start3A_23 = tpu.memref_squeeze %dma_start3A_22 : memref<1x128xi32, #tpu.memory_space<vmem>> -> memref<128xi32, #tpu.memory_space<vmem>>
        %dma_start3A_24 = arith.constant 0 : i32
        %dma_start3A_25 = arith.constant 0 : i32
        %dma_start3A_26 = tpu.memref_slice %arg2[%dma_start3A_24, %dma_start3A_25] : memref<10000x128xf32, #tpu.memory_space<hbm>> -> memref<10000x128xf32, #tpu.memory_space<hbm>>
        tpu.enqueue_indirect_dma source(%dma_start3A_26 : memref<10000x128xf32, #tpu.memory_space<hbm>>) target(%arg12 : memref<128x128xf32, #tpu.memory_space<vmem>>) offsets(%dma_start3A_23 : memref<128xi32, #tpu.memory_space<vmem>>) semaphore(%arg16 : memref<!tpu.dma_semaphore, #tpu.memory_space<semaphore_mem>>)
        %dma_start3A_27 = arith.constant 0 : i32
        %dma_start3A_28 = tpu.memref_slice %arg11[%add3A_14, %dma_start3A_27] : memref<80x128xi32, #tpu.memory_space<vmem>> -> memref<1x128xi32, #tpu.memory_space<vmem>>
        %dma_start3A_29 = tpu.memref_squeeze %dma_start3A_28 : memref<1x128xi32, #tpu.memory_space<vmem>> -> memref<128xi32, #tpu.memory_space<vmem>>
        %dma_start3A_30 = arith.constant 0 : i32
        %dma_start3A_31 = arith.constant 0 : i32
        %dma_start3A_32 = tpu.memref_slice %arg3[%dma_start3A_30, %dma_start3A_31] : memref<10000x128xf32, #tpu.memory_space<hbm>> -> memref<10000x128xf32, #tpu.memory_space<hbm>>
        tpu.enqueue_indirect_dma source(%dma_start3A_32 : memref<10000x128xf32, #tpu.memory_space<hbm>>) target(%arg13 : memref<128x128xf32, #tpu.memory_space<vmem>>) offsets(%dma_start3A_29 : memref<128xi32, #tpu.memory_space<vmem>>) semaphore(%arg17 : memref<!tpu.dma_semaphore, #tpu.memory_space<semaphore_mem>>)
        %get3A = arith.index_cast %add3A_14 : i32 to index
        %get3A_33 = arith.constant 0 : index
        %get3A_34 = tpu.vector_load %arg10[%get3A, %get3A_33] {strides = array<i32>} : memref<80x128xi32, #tpu.memory_space<vmem>>, vector<16xi32>,
        %get3A_35 = arith.index_cast %add3A_14 : i32 to index
        %get3A_36 = arith.constant 0 : index
        %get3A_37 = tpu.vector_load %arg11[%get3A_35, %get3A_36] {strides = array<i32>} : memref<80x128xi32, #tpu.memory_space<vmem>>, vector<16xi32>,
        %mul3A_38 = arith.constant 3 : i32
        %mul3A_39 = vector.broadcast %mul3A_38 : i32 to vector<16xi32>
        %mul3A_40 = arith.muli %get3A_34, %mul3A_39 : vector<16xi32>
        %mul3A_41 = arith.constant 3 : i32
        %mul3A_42 = vector.broadcast %mul3A_41 : i32 to vector<16xi32>
        %mul3A_43 = arith.muli %get3A_37, %mul3A_42 : vector<16xi32>
        %add3A_44 = arith.constant 0 : i32
        %add3A_45 = vector.broadcast %add3A_44 : i32 to vector<16xi32>
        %add3A_46 = arith.addi %mul3A_40, %add3A_45 : vector<16xi32>
        %gather3A = tpu.vector_load_idx %arg14[%add3A_46] : memref<30000xf32, #tpu.memory_space<vmem>>[vector<16xi32>], vector<16xf32>,
        %add3A_47 = arith.constant 0 : i32
        %add3A_48 = vector.broadcast %add3A_47 : i32 to vector<16xi32>
        %add3A_49 = arith.addi %mul3A_43, %add3A_48 : vector<16xi32>
        %gather3A_50 = tpu.vector_load_idx %arg14[%add3A_49] : memref<30000xf32, #tpu.memory_space<vmem>>[vector<16xi32>], vector<16xf32>,
        %sub3A = arith.subf %gather3A_50, %gather3A : vector<16xf32>
        %mul3A_51 = arith.mulf %sub3A, %sub3A : vector<16xf32>
        %add3A_52 = arith.constant 1 : i32
        %add3A_53 = vector.broadcast %add3A_52 : i32 to vector<16xi32>
        %add3A_54 = arith.addi %mul3A_40, %add3A_53 : vector<16xi32>
        %gather3A_55 = tpu.vector_load_idx %arg14[%add3A_54] : memref<30000xf32, #tpu.memory_space<vmem>>[vector<16xi32>], vector<16xf32>,
        %add3A_56 = arith.constant 1 : i32
        %add3A_57 = vector.broadcast %add3A_56 : i32 to vector<16xi32>
        %add3A_58 = arith.addi %mul3A_43, %add3A_57 : vector<16xi32>
        %gather3A_59 = tpu.vector_load_idx %arg14[%add3A_58] : memref<30000xf32, #tpu.memory_space<vmem>>[vector<16xi32>], vector<16xf32>,
        %sub3A_60 = arith.subf %gather3A_59, %gather3A_55 : vector<16xf32>
        %mul3A_61 = arith.mulf %sub3A_60, %sub3A_60 : vector<16xf32>
        %add3A_62 = arith.addf %mul3A_51, %mul3A_61 : vector<16xf32>
        %add3A_63 = arith.constant 2 : i32
        %add3A_64 = vector.broadcast %add3A_63 : i32 to vector<16xi32>
        %add3A_65 = arith.addi %mul3A_40, %add3A_64 : vector<16xi32>
        %gather3A_66 = tpu.vector_load_idx %arg14[%add3A_65] : memref<30000xf32, #tpu.memory_space<vmem>>[vector<16xi32>], vector<16xf32>,
        %add3A_67 = arith.constant 2 : i32
        %add3A_68 = vector.broadcast %add3A_67 : i32 to vector<16xi32>
        %add3A_69 = arith.addi %mul3A_43, %add3A_68 : vector<16xi32>
        %gather3A_70 = tpu.vector_load_idx %arg14[%add3A_69] : memref<30000xf32, #tpu.memory_space<vmem>>[vector<16xi32>], vector<16xf32>,
        %sub3A_71 = arith.subf %gather3A_70, %gather3A_66 : vector<16xf32>
        %mul3A_72 = arith.mulf %sub3A_71, %sub3A_71 : vector<16xf32>
        %add3A_73 = arith.addf %add3A_62, %mul3A_72 : vector<16xf32>
        %add3A_74 = arith.constant 0 : i32
        %add3A_75 = vector.broadcast %add3A_74 : i32 to vector<16xi32>
        %add3A_76 = arith.addi %iota3A, %add3A_75 : vector<16xi32>
        tpu.vector_store_idx %arg15[%add3A_76, %broadcast_in_dim3A_5], %add3A_73 : memref<128x8xf32, #tpu.memory_space<vmem>>[vector<16xi32>, vector<16xi32>], vector<16xf32>,
        %get3A_77 = arith.index_cast %add3A_14 : i32 to index
        %get3A_78 = arith.constant 16 : index
        %get3A_79 = tpu.vector_load %arg10[%get3A_77, %get3A_78] {strides = array<i32>} : memref<80x128xi32, #tpu.memory_space<vmem>>, vector<16xi32>,
        %get3A_80 = arith.index_cast %add3A_14 : i32 to index
        %get3A_81 = arith.constant 16 : index
        %get3A_82 = tpu.vector_load %arg11[%get3A_80, %get3A_81] {strides = array<i32>} : memref<80x128xi32, #tpu.memory_space<vmem>>, vector<16xi32>,
        %mul3A_83 = arith.constant 3 : i32
        %mul3A_84 = vector.broadcast %mul3A_83 : i32 to vector<16xi32>
        %mul3A_85 = arith.muli %get3A_79, %mul3A_84 : vector<16xi32>
        %mul3A_86 = arith.constant 3 : i32
        %mul3A_87 = vector.broadcast %mul3A_86 : i32 to vector<16xi32>
        %mul3A_88 = arith.muli %get3A_82, %mul3A_87 : vector<16xi32>
        %add3A_89 = arith.constant 0 : i32
        %add3A_90 = vector.broadcast %add3A_89 : i32 to vector<16xi32>
        %add3A_91 = arith.addi %mul3A_85, %add3A_90 : vector<16xi32>
        %gather3A_92 = tpu.vector_load_idx %arg14[%add3A_91] : memref<30000xf32, #tpu.memory_space<vmem>>[vector<16xi32>], vector<16xf32>,
        %add3A_93 = arith.constant 0 : i32
        %add3A_94 = vector.broadcast %add3A_93 : i32 to vector<16xi32>
        %add3A_95 = arith.addi %mul3A_88, %add3A_94 : vector<16xi32>
        %gather3A_96 = tpu.vector_load_idx %arg14[%add3A_95] : memref<30000xf32, #tpu.memory_space<vmem>>[vector<16xi32>], vector<16xf32>,
        %sub3A_97 = arith.subf %gather3A_96, %gather3A_92 : vector<16xf32>
        %mul3A_98 = arith.mulf %sub3A_97, %sub3A_97 : vector<16xf32>
        %add3A_99 = arith.constant 1 : i32
        %add3A_100 = vector.broadcast %add3A_99 : i32 to vector<16xi32>
        %add3A_101 = arith.addi %mul3A_85, %add3A_100 : vector<16xi32>
        %gather3A_102 = tpu.vector_load_idx %arg14[%add3A_101] : memref<30000xf32, #tpu.memory_space<vmem>>[vector<16xi32>], vector<16xf32>,
        %add3A_103 = arith.constant 1 : i32
        %add3A_104 = vector.broadcast %add3A_103 : i32 to vector<16xi32>
        %add3A_105 = arith.addi %mul3A_88, %add3A_104 : vector<16xi32>
        %gather3A_106 = tpu.vector_load_idx %arg14[%add3A_105] : memref<30000xf32, #tpu.memory_space<vmem>>[vector<16xi32>], vector<16xf32>,
        %sub3A_107 = arith.subf %gather3A_106, %gather3A_102 : vector<16xf32>
        %mul3A_108 = arith.mulf %sub3A_107, %sub3A_107 : vector<16xf32>
        %add3A_109 = arith.addf %mul3A_98, %mul3A_108 : vector<16xf32>
        %add3A_110 = arith.constant 2 : i32
        %add3A_111 = vector.broadcast %add3A_110 : i32 to vector<16xi32>
        %add3A_112 = arith.addi %mul3A_85, %add3A_111 : vector<16xi32>
        %gather3A_113 = tpu.vector_load_idx %arg14[%add3A_112] : memref<30000xf32, #tpu.memory_space<vmem>>[vector<16xi32>], vector<16xf32>,
        %add3A_114 = arith.constant 2 : i32
        %add3A_115 = vector.broadcast %add3A_114 : i32 to vector<16xi32>
        %add3A_116 = arith.addi %mul3A_88, %add3A_115 : vector<16xi32>
        %gather3A_117 = tpu.vector_load_idx %arg14[%add3A_116] : memref<30000xf32, #tpu.memory_space<vmem>>[vector<16xi32>], vector<16xf32>,
        %sub3A_118 = arith.subf %gather3A_117, %gather3A_113 : vector<16xf32>
        %mul3A_119 = arith.mulf %sub3A_118, %sub3A_118 : vector<16xf32>
        %add3A_120 = arith.addf %add3A_109, %mul3A_119 : vector<16xf32>
        %add3A_121 = arith.constant 16 : i32
        %add3A_122 = vector.broadcast %add3A_121 : i32 to vector<16xi32>
        %add3A_123 = arith.addi %iota3A, %add3A_122 : vector<16xi32>
        tpu.vector_store_idx %arg15[%add3A_123, %broadcast_in_dim3A_5], %add3A_120 : memref<128x8xf32, #tpu.memory_space<vmem>>[vector<16xi32>, vector<16xi32>], vector<16xf32>,
        %get3A_124 = arith.index_cast %add3A_14 : i32 to index
        %get3A_125 = arith.constant 32 : index
        %get3A_126 = tpu.vector_load %arg10[%get3A_124, %get3A_125] {strides = array<i32>} : memref<80x128xi32, #tpu.memory_space<vmem>>, vector<16xi32>,
        %get3A_127 = arith.index_cast %add3A_14 : i32 to index
        %get3A_128 = arith.constant 32 : index
        %get3A_129 = tpu.vector_load %arg11[%get3A_127, %get3A_128] {strides = array<i32>} : memref<80x128xi32, #tpu.memory_space<vmem>>, vector<16xi32>,
        %mul3A_130 = arith.constant 3 : i32
        %mul3A_131 = vector.broadcast %mul3A_130 : i32 to vector<16xi32>
        %mul3A_132 = arith.muli %get3A_126, %mul3A_131 : vector<16xi32>
        %mul3A_133 = arith.constant 3 : i32
        %mul3A_134 = vector.broadcast %mul3A_133 : i32 to vector<16xi32>
        %mul3A_135 = arith.muli %get3A_129, %mul3A_134 : vector<16xi32>
        %add3A_136 = arith.constant 0 : i32
        %add3A_137 = vector.broadcast %add3A_136 : i32 to vector<16xi32>
        %add3A_138 = arith.addi %mul3A_132, %add3A_137 : vector<16xi32>
        %gather3A_139 = tpu.vector_load_idx %arg14[%add3A_138] : memref<30000xf32, #tpu.memory_space<vmem>>[vector<16xi32>], vector<16xf32>,
        %add3A_140 = arith.constant 0 : i32
        %add3A_141 = vector.broadcast %add3A_140 : i32 to vector<16xi32>
        %add3A_142 = arith.addi %mul3A_135, %add3A_141 : vector<16xi32>
        %gather3A_143 = tpu.vector_load_idx %arg14[%add3A_142] : memref<30000xf32, #tpu.memory_space<vmem>>[vector<16xi32>], vector<16xf32>,
        %sub3A_144 = arith.subf %gather3A_143, %gather3A_139 : vector<16xf32>
        %mul3A_145 = arith.mulf %sub3A_144, %sub3A_144 : vector<16xf32>
        %add3A_146 = arith.constant 1 : i32
        %add3A_147 = vector.broadcast %add3A_146 : i32 to vector<16xi32>
        %add3A_148 = arith.addi %mul3A_132, %add3A_147 : vector<16xi32>
        %gather3A_149 = tpu.vector_load_idx %arg14[%add3A_148] : memref<30000xf32, #tpu.memory_space<vmem>>[vector<16xi32>], vector<16xf32>,
        %add3A_150 = arith.constant 1 : i32
        %add3A_151 = vector.broadcast %add3A_150 : i32 to vector<16xi32>
        %add3A_152 = arith.addi %mul3A_135, %add3A_151 : vector<16xi32>
        %gather3A_153 = tpu.vector_load_idx %arg14[%add3A_152] : memref<30000xf32, #tpu.memory_space<vmem>>[vector<16xi32>], vector<16xf32>,
        %sub3A_154 = arith.subf %gather3A_153, %gather3A_149 : vector<16xf32>
        %mul3A_155 = arith.mulf %sub3A_154, %sub3A_154 : vector<16xf32>
        %add3A_156 = arith.addf %mul3A_145, %mul3A_155 : vector<16xf32>
        %add3A_157 = arith.constant 2 : i32
        %add3A_158 = vector.broadcast %add3A_157 : i32 to vector<16xi32>
        %add3A_159 = arith.addi %mul3A_132, %add3A_158 : vector<16xi32>
        %gather3A_160 = tpu.vector_load_idx %arg14[%add3A_159] : memref<30000xf32, #tpu.memory_space<vmem>>[vector<16xi32>], vector<16xf32>,
        %add3A_161 = arith.constant 2 : i32
        %add3A_162 = vector.broadcast %add3A_161 : i32 to vector<16xi32>
        %add3A_163 = arith.addi %mul3A_135, %add3A_162 : vector<16xi32>
        %gather3A_164 = tpu.vector_load_idx %arg14[%add3A_163] : memref<30000xf32, #tpu.memory_space<vmem>>[vector<16xi32>], vector<16xf32>,
        %sub3A_165 = arith.subf %gather3A_164, %gather3A_160 : vector<16xf32>
        %mul3A_166 = arith.mulf %sub3A_165, %sub3A_165 : vector<16xf32>
        %add3A_167 = arith.addf %add3A_156, %mul3A_166 : vector<16xf32>
        %add3A_168 = arith.constant 32 : i32
        %add3A_169 = vector.broadcast %add3A_168 : i32 to vector<16xi32>
        %add3A_170 = arith.addi %iota3A, %add3A_169 : vector<16xi32>
        tpu.vector_store_idx %arg15[%add3A_170, %broadcast_in_dim3A_5], %add3A_167 : memref<128x8xf32, #tpu.memory_space<vmem>>[vector<16xi32>, vector<16xi32>], vector<16xf32>,
        %get3A_171 = arith.index_cast %add3A_14 : i32 to index
        %get3A_172 = arith.constant 48 : index
        %get3A_173 = tpu.vector_load %arg10[%get3A_171, %get3A_172] {strides = array<i32>} : memref<80x128xi32, #tpu.memory_space<vmem>>, vector<16xi32>,
        %get3A_174 = arith.index_cast %add3A_14 : i32 to index
        %get3A_175 = arith.constant 48 : index
        %get3A_176 = tpu.vector_load %arg11[%get3A_174, %get3A_175] {strides = array<i32>} : memref<80x128xi32, #tpu.memory_space<vmem>>, vector<16xi32>,
        %mul3A_177 = arith.constant 3 : i32
        %mul3A_178 = vector.broadcast %mul3A_177 : i32 to vector<16xi32>
        %mul3A_179 = arith.muli %get3A_173, %mul3A_178 : vector<16xi32>
        %mul3A_180 = arith.constant 3 : i32
        %mul3A_181 = vector.broadcast %mul3A_180 : i32 to vector<16xi32>
        %mul3A_182 = arith.muli %get3A_176, %mul3A_181 : vector<16xi32>
        %add3A_183 = arith.constant 0 : i32
        %add3A_184 = vector.broadcast %add3A_183 : i32 to vector<16xi32>
        %add3A_185 = arith.addi %mul3A_179, %add3A_184 : vector<16xi32>
        %gather3A_186 = tpu.vector_load_idx %arg14[%add3A_185] : memref<30000xf32, #tpu.memory_space<vmem>>[vector<16xi32>], vector<16xf32>,
        %add3A_187 = arith.constant 0 : i32
        %add3A_188 = vector.broadcast %add3A_187 : i32 to vector<16xi32>
        %add3A_189 = arith.addi %mul3A_182, %add3A_188 : vector<16xi32>
        %gather3A_190 = tpu.vector_load_idx %arg14[%add3A_189] : memref<30000xf32, #tpu.memory_space<vmem>>[vector<16xi32>], vector<16xf32>,
        %sub3A_191 = arith.subf %gather3A_190, %gather3A_186 : vector<16xf32>
        %mul3A_192 = arith.mulf %sub3A_191, %sub3A_191 : vector<16xf32>
        %add3A_193 = arith.constant 1 : i32
        %add3A_194 = vector.broadcast %add3A_193 : i32 to vector<16xi32>
        %add3A_195 = arith.addi %mul3A_179, %add3A_194 : vector<16xi32>
        %gather3A_196 = tpu.vector_load_idx %arg14[%add3A_195] : memref<30000xf32, #tpu.memory_space<vmem>>[vector<16xi32>], vector<16xf32>,
        %add3A_197 = arith.constant 1 : i32
        %add3A_198 = vector.broadcast %add3A_197 : i32 to vector<16xi32>
        %add3A_199 = arith.addi %mul3A_182, %add3A_198 : vector<16xi32>
        %gather3A_200 = tpu.vector_load_idx %arg14[%add3A_199] : memref<30000xf32, #tpu.memory_space<vmem>>[vector<16xi32>], vector<16xf32>,
        %sub3A_201 = arith.subf %gather3A_200, %gather3A_196 : vector<16xf32>
        %mul3A_202 = arith.mulf %sub3A_201, %sub3A_201 : vector<16xf32>
        %add3A_203 = arith.addf %mul3A_192, %mul3A_202 : vector<16xf32>
        %add3A_204 = arith.constant 2 : i32
        %add3A_205 = vector.broadcast %add3A_204 : i32 to vector<16xi32>
        %add3A_206 = arith.addi %mul3A_179, %add3A_205 : vector<16xi32>
        %gather3A_207 = tpu.vector_load_idx %arg14[%add3A_206] : memref<30000xf32, #tpu.memory_space<vmem>>[vector<16xi32>], vector<16xf32>,
        %add3A_208 = arith.constant 2 : i32
        %add3A_209 = vector.broadcast %add3A_208 : i32 to vector<16xi32>
        %add3A_210 = arith.addi %mul3A_182, %add3A_209 : vector<16xi32>
        %gather3A_211 = tpu.vector_load_idx %arg14[%add3A_210] : memref<30000xf32, #tpu.memory_space<vmem>>[vector<16xi32>], vector<16xf32>,
        %sub3A_212 = arith.subf %gather3A_211, %gather3A_207 : vector<16xf32>
        %mul3A_213 = arith.mulf %sub3A_212, %sub3A_212 : vector<16xf32>
        %add3A_214 = arith.addf %add3A_203, %mul3A_213 : vector<16xf32>
        %add3A_215 = arith.constant 48 : i32
        %add3A_216 = vector.broadcast %add3A_215 : i32 to vector<16xi32>
        %add3A_217 = arith.addi %iota3A, %add3A_216 : vector<16xi32>
        tpu.vector_store_idx %arg15[%add3A_217, %broadcast_in_dim3A_5], %add3A_214 : memref<128x8xf32, #tpu.memory_space<vmem>>[vector<16xi32>, vector<16xi32>], vector<16xf32>,
        %get3A_218 = arith.index_cast %add3A_14 : i32 to index
        %get3A_219 = arith.constant 64 : index
        %get3A_220 = tpu.vector_load %arg10[%get3A_218, %get3A_219] {strides = array<i32>} : memref<80x128xi32, #tpu.memory_space<vmem>>, vector<16xi32>,
        %get3A_221 = arith.index_cast %add3A_14 : i32 to index
        %get3A_222 = arith.constant 64 : index
        %get3A_223 = tpu.vector_load %arg11[%get3A_221, %get3A_222] {strides = array<i32>} : memref<80x128xi32, #tpu.memory_space<vmem>>, vector<16xi32>,
        %mul3A_224 = arith.constant 3 : i32
        %mul3A_225 = vector.broadcast %mul3A_224 : i32 to vector<16xi32>
        %mul3A_226 = arith.muli %get3A_220, %mul3A_225 : vector<16xi32>
        %mul3A_227 = arith.constant 3 : i32
        %mul3A_228 = vector.broadcast %mul3A_227 : i32 to vector<16xi32>
        %mul3A_229 = arith.muli %get3A_223, %mul3A_228 : vector<16xi32>
        %add3A_230 = arith.constant 0 : i32
        %add3A_231 = vector.broadcast %add3A_230 : i32 to vector<16xi32>
        %add3A_232 = arith.addi %mul3A_226, %add3A_231 : vector<16xi32>
        %gather3A_233 = tpu.vector_load_idx %arg14[%add3A_232] : memref<30000xf32, #tpu.memory_space<vmem>>[vector<16xi32>], vector<16xf32>,
        %add3A_234 = arith.constant 0 : i32
        %add3A_235 = vector.broadcast %add3A_234 : i32 to vector<16xi32>
        %add3A_236 = arith.addi %mul3A_229, %add3A_235 : vector<16xi32>
        %gather3A_237 = tpu.vector_load_idx %arg14[%add3A_236] : memref<30000xf32, #tpu.memory_space<vmem>>[vector<16xi32>], vector<16xf32>,
        %sub3A_238 = arith.subf %gather3A_237, %gather3A_233 : vector<16xf32>
        %mul3A_239 = arith.mulf %sub3A_238, %sub3A_238 : vector<16xf32>
        %add3A_240 = arith.constant 1 : i32
        %add3A_241 = vector.broadcast %add3A_240 : i32 to vector<16xi32>
        %add3A_242 = arith.addi %mul3A_226, %add3A_241 : vector<16xi32>
        %gather3A_243 = tpu.vector_load_idx %arg14[%add3A_242] : memref<30000xf32, #tpu.memory_space<vmem>>[vector<16xi32>], vector<16xf32>,
        %add3A_244 = arith.constant 1 : i32
        %add3A_245 = vector.broadcast %add3A_244 : i32 to vector<16xi32>
        %add3A_246 = arith.addi %mul3A_229, %add3A_245 : vector<16xi32>
        %gather3A_247 = tpu.vector_load_idx %arg14[%add3A_246] : memref<30000xf32, #tpu.memory_space<vmem>>[vector<16xi32>], vector<16xf32>,
        %sub3A_248 = arith.subf %gather3A_247, %gather3A_243 : vector<16xf32>
        %mul3A_249 = arith.mulf %sub3A_248, %sub3A_248 : vector<16xf32>
        %add3A_250 = arith.addf %mul3A_239, %mul3A_249 : vector<16xf32>
        %add3A_251 = arith.constant 2 : i32
        %add3A_252 = vector.broadcast %add3A_251 : i32 to vector<16xi32>
        %add3A_253 = arith.addi %mul3A_226, %add3A_252 : vector<16xi32>
        %gather3A_254 = tpu.vector_load_idx %arg14[%add3A_253] : memref<30000xf32, #tpu.memory_space<vmem>>[vector<16xi32>], vector<16xf32>,
        %add3A_255 = arith.constant 2 : i32
        %add3A_256 = vector.broadcast %add3A_255 : i32 to vector<16xi32>
        %add3A_257 = arith.addi %mul3A_229, %add3A_256 : vector<16xi32>
        %gather3A_258 = tpu.vector_load_idx %arg14[%add3A_257] : memref<30000xf32, #tpu.memory_space<vmem>>[vector<16xi32>], vector<16xf32>,
        %sub3A_259 = arith.subf %gather3A_258, %gather3A_254 : vector<16xf32>
        %mul3A_260 = arith.mulf %sub3A_259, %sub3A_259 : vector<16xf32>
        %add3A_261 = arith.addf %add3A_250, %mul3A_260 : vector<16xf32>
        %add3A_262 = arith.constant 64 : i32
        %add3A_263 = vector.broadcast %add3A_262 : i32 to vector<16xi32>
        %add3A_264 = arith.addi %iota3A, %add3A_263 : vector<16xi32>
        tpu.vector_store_idx %arg15[%add3A_264, %broadcast_in_dim3A_5], %add3A_261 : memref<128x8xf32, #tpu.memory_space<vmem>>[vector<16xi32>, vector<16xi32>], vector<16xf32>,
        %get3A_265 = arith.index_cast %add3A_14 : i32 to index
        %get3A_266 = arith.constant 80 : index
        %get3A_267 = tpu.vector_load %arg10[%get3A_265, %get3A_266] {strides = array<i32>} : memref<80x128xi32, #tpu.memory_space<vmem>>, vector<16xi32>,
        %get3A_268 = arith.index_cast %add3A_14 : i32 to index
        %get3A_269 = arith.constant 80 : index
        %get3A_270 = tpu.vector_load %arg11[%get3A_268, %get3A_269] {strides = array<i32>} : memref<80x128xi32, #tpu.memory_space<vmem>>, vector<16xi32>,
        %mul3A_271 = arith.constant 3 : i32
        %mul3A_272 = vector.broadcast %mul3A_271 : i32 to vector<16xi32>
        %mul3A_273 = arith.muli %get3A_267, %mul3A_272 : vector<16xi32>
        %mul3A_274 = arith.constant 3 : i32
        %mul3A_275 = vector.broadcast %mul3A_274 : i32 to vector<16xi32>
        %mul3A_276 = arith.muli %get3A_270, %mul3A_275 : vector<16xi32>
        %add3A_277 = arith.constant 0 : i32
        %add3A_278 = vector.broadcast %add3A_277 : i32 to vector<16xi32>
        %add3A_279 = arith.addi %mul3A_273, %add3A_278 : vector<16xi32>
        %gather3A_280 = tpu.vector_load_idx %arg14[%add3A_279] : memref<30000xf32, #tpu.memory_space<vmem>>[vector<16xi32>], vector<16xf32>,
        %add3A_281 = arith.constant 0 : i32
        %add3A_282 = vector.broadcast %add3A_281 : i32 to vector<16xi32>
        %add3A_283 = arith.addi %mul3A_276, %add3A_282 : vector<16xi32>
        %gather3A_284 = tpu.vector_load_idx %arg14[%add3A_283] : memref<30000xf32, #tpu.memory_space<vmem>>[vector<16xi32>], vector<16xf32>,
        %sub3A_285 = arith.subf %gather3A_284, %gather3A_280 : vector<16xf32>
        %mul3A_286 = arith.mulf %sub3A_285, %sub3A_285 : vector<16xf32>
        %add3A_287 = arith.constant 1 : i32
        %add3A_288 = vector.broadcast %add3A_287 : i32 to vector<16xi32>
        %add3A_289 = arith.addi %mul3A_273, %add3A_288 : vector<16xi32>
        %gather3A_290 = tpu.vector_load_idx %arg14[%add3A_289] : memref<30000xf32, #tpu.memory_space<vmem>>[vector<16xi32>], vector<16xf32>,
        %add3A_291 = arith.constant 1 : i32
        %add3A_292 = vector.broadcast %add3A_291 : i32 to vector<16xi32>
        %add3A_293 = arith.addi %mul3A_276, %add3A_292 : vector<16xi32>
        %gather3A_294 = tpu.vector_load_idx %arg14[%add3A_293] : memref<30000xf32, #tpu.memory_space<vmem>>[vector<16xi32>], vector<16xf32>,
        %sub3A_295 = arith.subf %gather3A_294, %gather3A_290 : vector<16xf32>
        %mul3A_296 = arith.mulf %sub3A_295, %sub3A_295 : vector<16xf32>
        %add3A_297 = arith.addf %mul3A_286, %mul3A_296 : vector<16xf32>
        %add3A_298 = arith.constant 2 : i32
        %add3A_299 = vector.broadcast %add3A_298 : i32 to vector<16xi32>
        %add3A_300 = arith.addi %mul3A_273, %add3A_299 : vector<16xi32>
        %gather3A_301 = tpu.vector_load_idx %arg14[%add3A_300] : memref<30000xf32, #tpu.memory_space<vmem>>[vector<16xi32>], vector<16xf32>,
        %add3A_302 = arith.constant 2 : i32
        %add3A_303 = vector.broadcast %add3A_302 : i32 to vector<16xi32>
        %add3A_304 = arith.addi %mul3A_276, %add3A_303 : vector<16xi32>
        %gather3A_305 = tpu.vector_load_idx %arg14[%add3A_304] : memref<30000xf32, #tpu.memory_space<vmem>>[vector<16xi32>], vector<16xf32>,
        %sub3A_306 = arith.subf %gather3A_305, %gather3A_301 : vector<16xf32>
        %mul3A_307 = arith.mulf %sub3A_306, %sub3A_306 : vector<16xf32>
        %add3A_308 = arith.addf %add3A_297, %mul3A_307 : vector<16xf32>
        %add3A_309 = arith.constant 80 : i32
        %add3A_310 = vector.broadcast %add3A_309 : i32 to vector<16xi32>
        %add3A_311 = arith.addi %iota3A, %add3A_310 : vector<16xi32>
        tpu.vector_store_idx %arg15[%add3A_311, %broadcast_in_dim3A_5], %add3A_308 : memref<128x8xf32, #tpu.memory_space<vmem>>[vector<16xi32>, vector<16xi32>], vector<16xf32>,
        %get3A_312 = arith.index_cast %add3A_14 : i32 to index
        %get3A_313 = arith.constant 96 : index
        %get3A_314 = tpu.vector_load %arg10[%get3A_312, %get3A_313] {strides = array<i32>} : memref<80x128xi32, #tpu.memory_space<vmem>>, vector<16xi32>,
        %get3A_315 = arith.index_cast %add3A_14 : i32 to index
        %get3A_316 = arith.constant 96 : index
        %get3A_317 = tpu.vector_load %arg11[%get3A_315, %get3A_316] {strides = array<i32>} : memref<80x128xi32, #tpu.memory_space<vmem>>, vector<16xi32>,
        %mul3A_318 = arith.constant 3 : i32
        %mul3A_319 = vector.broadcast %mul3A_318 : i32 to vector<16xi32>
        %mul3A_320 = arith.muli %get3A_314, %mul3A_319 : vector<16xi32>
        %mul3A_321 = arith.constant 3 : i32
        %mul3A_322 = vector.broadcast %mul3A_321 : i32 to vector<16xi32>
        %mul3A_323 = arith.muli %get3A_317, %mul3A_322 : vector<16xi32>
        %add3A_324 = arith.constant 0 : i32
        %add3A_325 = vector.broadcast %add3A_324 : i32 to vector<16xi32>
        %add3A_326 = arith.addi %mul3A_320, %add3A_325 : vector<16xi32>
        %gather3A_327 = tpu.vector_load_idx %arg14[%add3A_326] : memref<30000xf32, #tpu.memory_space<vmem>>[vector<16xi32>], vector<16xf32>,
        %add3A_328 = arith.constant 0 : i32
        %add3A_329 = vector.broadcast %add3A_328 : i32 to vector<16xi32>
        %add3A_330 = arith.addi %mul3A_323, %add3A_329 : vector<16xi32>
        %gather3A_331 = tpu.vector_load_idx %arg14[%add3A_330] : memref<30000xf32, #tpu.memory_space<vmem>>[vector<16xi32>], vector<16xf32>,
        %sub3A_332 = arith.subf %gather3A_331, %gather3A_327 : vector<16xf32>
        %mul3A_333 = arith.mulf %sub3A_332, %sub3A_332 : vector<16xf32>
        %add3A_334 = arith.constant 1 : i32
        %add3A_335 = vector.broadcast %add3A_334 : i32 to vector<16xi32>
        %add3A_336 = arith.addi %mul3A_320, %add3A_335 : vector<16xi32>
        %gather3A_337 = tpu.vector_load_idx %arg14[%add3A_336] : memref<30000xf32, #tpu.memory_space<vmem>>[vector<16xi32>], vector<16xf32>,
        %add3A_338 = arith.constant 1 : i32
        %add3A_339 = vector.broadcast %add3A_338 : i32 to vector<16xi32>
        %add3A_340 = arith.addi %mul3A_323, %add3A_339 : vector<16xi32>
        %gather3A_341 = tpu.vector_load_idx %arg14[%add3A_340] : memref<30000xf32, #tpu.memory_space<vmem>>[vector<16xi32>], vector<16xf32>,
        %sub3A_342 = arith.subf %gather3A_341, %gather3A_337 : vector<16xf32>
        %mul3A_343 = arith.mulf %sub3A_342, %sub3A_342 : vector<16xf32>
        %add3A_344 = arith.addf %mul3A_333, %mul3A_343 : vector<16xf32>
        %add3A_345 = arith.constant 2 : i32
        %add3A_346 = vector.broadcast %add3A_345 : i32 to vector<16xi32>
        %add3A_347 = arith.addi %mul3A_320, %add3A_346 : vector<16xi32>
        %gather3A_348 = tpu.vector_load_idx %arg14[%add3A_347] : memref<30000xf32, #tpu.memory_space<vmem>>[vector<16xi32>], vector<16xf32>,
        %add3A_349 = arith.constant 2 : i32
        %add3A_350 = vector.broadcast %add3A_349 : i32 to vector<16xi32>
        %add3A_351 = arith.addi %mul3A_323, %add3A_350 : vector<16xi32>
        %gather3A_352 = tpu.vector_load_idx %arg14[%add3A_351] : memref<30000xf32, #tpu.memory_space<vmem>>[vector<16xi32>], vector<16xf32>,
        %sub3A_353 = arith.subf %gather3A_352, %gather3A_348 : vector<16xf32>
        %mul3A_354 = arith.mulf %sub3A_353, %sub3A_353 : vector<16xf32>
        %add3A_355 = arith.addf %add3A_344, %mul3A_354 : vector<16xf32>
        %add3A_356 = arith.constant 96 : i32
        %add3A_357 = vector.broadcast %add3A_356 : i32 to vector<16xi32>
        %add3A_358 = arith.addi %iota3A, %add3A_357 : vector<16xi32>
        tpu.vector_store_idx %arg15[%add3A_358, %broadcast_in_dim3A_5], %add3A_355 : memref<128x8xf32, #tpu.memory_space<vmem>>[vector<16xi32>, vector<16xi32>], vector<16xf32>,
        %get3A_359 = arith.index_cast %add3A_14 : i32 to index
        %get3A_360 = arith.constant 112 : index
        %get3A_361 = tpu.vector_load %arg10[%get3A_359, %get3A_360] {strides = array<i32>} : memref<80x128xi32, #tpu.memory_space<vmem>>, vector<16xi32>,
        %get3A_362 = arith.index_cast %add3A_14 : i32 to index
        %get3A_363 = arith.constant 112 : index
        %get3A_364 = tpu.vector_load %arg11[%get3A_362, %get3A_363] {strides = array<i32>} : memref<80x128xi32, #tpu.memory_space<vmem>>, vector<16xi32>,
        %mul3A_365 = arith.constant 3 : i32
        %mul3A_366 = vector.broadcast %mul3A_365 : i32 to vector<16xi32>
        %mul3A_367 = arith.muli %get3A_361, %mul3A_366 : vector<16xi32>
        %mul3A_368 = arith.constant 3 : i32
        %mul3A_369 = vector.broadcast %mul3A_368 : i32 to vector<16xi32>
        %mul3A_370 = arith.muli %get3A_364, %mul3A_369 : vector<16xi32>
        %add3A_371 = arith.constant 0 : i32
        %add3A_372 = vector.broadcast %add3A_371 : i32 to vector<16xi32>
        %add3A_373 = arith.addi %mul3A_367, %add3A_372 : vector<16xi32>
        %gather3A_374 = tpu.vector_load_idx %arg14[%add3A_373] : memref<30000xf32, #tpu.memory_space<vmem>>[vector<16xi32>], vector<16xf32>,
        %add3A_375 = arith.constant 0 : i32
        %add3A_376 = vector.broadcast %add3A_375 : i32 to vector<16xi32>
        %add3A_377 = arith.addi %mul3A_370, %add3A_376 : vector<16xi32>
        %gather3A_378 = tpu.vector_load_idx %arg14[%add3A_377] : memref<30000xf32, #tpu.memory_space<vmem>>[vector<16xi32>], vector<16xf32>,
        %sub3A_379 = arith.subf %gather3A_378, %gather3A_374 : vector<16xf32>
        %mul3A_380 = arith.mulf %sub3A_379, %sub3A_379 : vector<16xf32>
        %add3A_381 = arith.constant 1 : i32
        %add3A_382 = vector.broadcast %add3A_381 : i32 to vector<16xi32>
        %add3A_383 = arith.addi %mul3A_367, %add3A_382 : vector<16xi32>
        %gather3A_384 = tpu.vector_load_idx %arg14[%add3A_383] : memref<30000xf32, #tpu.memory_space<vmem>>[vector<16xi32>], vector<16xf32>,
        %add3A_385 = arith.constant 1 : i32
        %add3A_386 = vector.broadcast %add3A_385 : i32 to vector<16xi32>
        %add3A_387 = arith.addi %mul3A_370, %add3A_386 : vector<16xi32>
        %gather3A_388 = tpu.vector_load_idx %arg14[%add3A_387] : memref<30000xf32, #tpu.memory_space<vmem>>[vector<16xi32>], vector<16xf32>,
        %sub3A_389 = arith.subf %gather3A_388, %gather3A_384 : vector<16xf32>
        %mul3A_390 = arith.mulf %sub3A_389, %sub3A_389 : vector<16xf32>
        %add3A_391 = arith.addf %mul3A_380, %mul3A_390 : vector<16xf32>
        %add3A_392 = arith.constant 2 : i32
        %add3A_393 = vector.broadcast %add3A_392 : i32 to vector<16xi32>
        %add3A_394 = arith.addi %mul3A_367, %add3A_393 : vector<16xi32>
        %gather3A_395 = tpu.vector_load_idx %arg14[%add3A_394] : memref<30000xf32, #tpu.memory_space<vmem>>[vector<16xi32>], vector<16xf32>,
        %add3A_396 = arith.constant 2 : i32
        %add3A_397 = vector.broadcast %add3A_396 : i32 to vector<16xi32>
        %add3A_398 = arith.addi %mul3A_370, %add3A_397 : vector<16xi32>
        %gather3A_399 = tpu.vector_load_idx %arg14[%add3A_398] : memref<30000xf32, #tpu.memory_space<vmem>>[vector<16xi32>], vector<16xf32>,
        %sub3A_400 = arith.subf %gather3A_399, %gather3A_395 : vector<16xf32>
        %mul3A_401 = arith.mulf %sub3A_400, %sub3A_400 : vector<16xf32>
        %add3A_402 = arith.addf %add3A_391, %mul3A_401 : vector<16xf32>
        %add3A_403 = arith.constant 112 : i32
        %add3A_404 = vector.broadcast %add3A_403 : i32 to vector<16xi32>
        %add3A_405 = arith.addi %iota3A, %add3A_404 : vector<16xi32>
        tpu.vector_store_idx %arg15[%add3A_405, %broadcast_in_dim3A_5], %add3A_402 : memref<128x8xf32, #tpu.memory_space<vmem>>[vector<16xi32>, vector<16xi32>], vector<16xf32>,
        "tpu.region"() ({
          %run_scoped3A = tpu.sem_alloc : memref<!tpu.dma_semaphore, #tpu.memory_space<semaphore_mem>>
          %dma_start3A_417 = arith.constant 0 : i32
          %dma_start3A_418 = tpu.memref_slice %arg9[%mul3A_21, %dma_start3A_417] : memref<320000x8xf32, #tpu.memory_space<hbm>> -> memref<128x8xf32, #tpu.memory_space<hbm>>
          %dma_start3A_419 = arith.constant 0 : i32
          %dma_start3A_420 = tpu.memref_slice %arg9[%mul3A_21, %dma_start3A_419] : memref<320000x8xf32, #tpu.memory_space<hbm>> -> memref<128x8xf32, #tpu.memory_space<hbm>>
          tpu.enqueue_dma source(%arg15 : memref<128x8xf32, #tpu.memory_space<vmem>>) target(%dma_start3A_420 : memref<128x8xf32, #tpu.memory_space<hbm>>) target_semaphore(%run_scoped3A : memref<!tpu.dma_semaphore, #tpu.memory_space<semaphore_mem>>)
          %dma_wait3A_421 = arith.constant 0 : i32
          %dma_wait3A_422 = tpu.memref_slice %arg9[%mul3A_21, %dma_wait3A_421] : memref<320000x8xf32, #tpu.memory_space<hbm>> -> memref<128x8xf32, #tpu.memory_space<hbm>>
          %dma_wait3A_423 = arith.constant 0 : i32
          %dma_wait3A_424 = tpu.memref_slice %arg9[%mul3A_21, %dma_wait3A_423] : memref<320000x8xf32, #tpu.memory_space<hbm>> -> memref<128x8xf32, #tpu.memory_space<hbm>>
          tpu.wait_dma2 semaphore(%run_scoped3A : memref<!tpu.dma_semaphore, #tpu.memory_space<semaphore_mem>>) src(%arg15 : memref<128x8xf32, #tpu.memory_space<vmem>>) dst(%dma_wait3A_424 : memref<128x8xf32, #tpu.memory_space<hbm>>)
          tpu.yield
        }) : () -> ()
        %dma_wait3A = arith.constant 0 : i32
        %dma_wait3A_406 = tpu.memref_slice %arg10[%add3A_14, %dma_wait3A] : memref<80x128xi32, #tpu.memory_space<vmem>> -> memref<1x128xi32, #tpu.memory_space<vmem>>
        %dma_wait3A_407 = tpu.memref_squeeze %dma_wait3A_406 : memref<1x128xi32, #tpu.memory_space<vmem>> -> memref<128xi32, #tpu.memory_space<vmem>>
        %dma_wait3A_408 = arith.constant 0 : i32
        %dma_wait3A_409 = arith.constant 0 : i32
        %dma_wait3A_410 = tpu.memref_slice %arg2[%dma_wait3A_408, %dma_wait3A_409] : memref<10000x128xf32, #tpu.memory_space<hbm>> -> memref<10000x128xf32, #tpu.memory_space<hbm>>
        tpu.wait_indirect_dma semaphore(%arg16 : memref<!tpu.dma_semaphore, #tpu.memory_space<semaphore_mem>>) src(%dma_wait3A_410 : memref<10000x128xf32, #tpu.memory_space<hbm>>) dst(%arg12 : memref<128x128xf32, #tpu.memory_space<vmem>>)
        "tpu.region"() ({
          %run_scoped3A = tpu.sem_alloc : memref<!tpu.dma_semaphore, #tpu.memory_space<semaphore_mem>>
          %dma_start3A_417 = arith.constant 0 : i32
          %dma_start3A_418 = tpu.memref_slice %arg7[%mul3A_21, %dma_start3A_417] : memref<320000x128xf32, #tpu.memory_space<hbm>> -> memref<128x128xf32, #tpu.memory_space<hbm>>
          %dma_start3A_419 = arith.constant 0 : i32
          %dma_start3A_420 = tpu.memref_slice %arg7[%mul3A_21, %dma_start3A_419] : memref<320000x128xf32, #tpu.memory_space<hbm>> -> memref<128x128xf32, #tpu.memory_space<hbm>>
          tpu.enqueue_dma source(%arg12 : memref<128x128xf32, #tpu.memory_space<vmem>>) target(%dma_start3A_420 : memref<128x128xf32, #tpu.memory_space<hbm>>) target_semaphore(%run_scoped3A : memref<!tpu.dma_semaphore, #tpu.memory_space<semaphore_mem>>)
          %dma_wait3A_421 = arith.constant 0 : i32
          %dma_wait3A_422 = tpu.memref_slice %arg7[%mul3A_21, %dma_wait3A_421] : memref<320000x128xf32, #tpu.memory_space<hbm>> -> memref<128x128xf32, #tpu.memory_space<hbm>>
          %dma_wait3A_423 = arith.constant 0 : i32
          %dma_wait3A_424 = tpu.memref_slice %arg7[%mul3A_21, %dma_wait3A_423] : memref<320000x128xf32, #tpu.memory_space<hbm>> -> memref<128x128xf32, #tpu.memory_space<hbm>>
          tpu.wait_dma2 semaphore(%run_scoped3A : memref<!tpu.dma_semaphore, #tpu.memory_space<semaphore_mem>>) src(%arg12 : memref<128x128xf32, #tpu.memory_space<vmem>>) dst(%dma_wait3A_424 : memref<128x128xf32, #tpu.memory_space<hbm>>)
          tpu.yield
        }) : () -> ()
        %dma_wait3A_411 = arith.constant 0 : i32
        %dma_wait3A_412 = tpu.memref_slice %arg11[%add3A_14, %dma_wait3A_411] : memref<80x128xi32, #tpu.memory_space<vmem>> -> memref<1x128xi32, #tpu.memory_space<vmem>>
        %dma_wait3A_413 = tpu.memref_squeeze %dma_wait3A_412 : memref<1x128xi32, #tpu.memory_space<vmem>> -> memref<128xi32, #tpu.memory_space<vmem>>
        %dma_wait3A_414 = arith.constant 0 : i32
        %dma_wait3A_415 = arith.constant 0 : i32
        %dma_wait3A_416 = tpu.memref_slice %arg3[%dma_wait3A_414, %dma_wait3A_415] : memref<10000x128xf32, #tpu.memory_space<hbm>> -> memref<10000x128xf32, #tpu.memory_space<hbm>>
        tpu.wait_indirect_dma semaphore(%arg17 : memref<!tpu.dma_semaphore, #tpu.memory_space<semaphore_mem>>) src(%dma_wait3A_416 : memref<10000x128xf32, #tpu.memory_space<hbm>>) dst(%arg13 : memref<128x128xf32, #tpu.memory_space<vmem>>)
        "tpu.region"() ({
          %run_scoped3A = tpu.sem_alloc : memref<!tpu.dma_semaphore, #tpu.memory_space<semaphore_mem>>
          %dma_start3A_417 = arith.constant 0 : i32
          %dma_start3A_418 = tpu.memref_slice %arg8[%mul3A_21, %dma_start3A_417] : memref<320000x128xf32, #tpu.memory_space<hbm>> -> memref<128x128xf32, #tpu.memory_space<hbm>>
          %dma_start3A_419 = arith.constant 0 : i32
          %dma_start3A_420 = tpu.memref_slice %arg8[%mul3A_21, %dma_start3A_419] : memref<320000x128xf32, #tpu.memory_space<hbm>> -> memref<128x128xf32, #tpu.memory_space<hbm>>
          tpu.enqueue_dma source(%arg13 : memref<128x128xf32, #tpu.memory_space<vmem>>) target(%dma_start3A_420 : memref<128x128xf32, #tpu.memory_space<hbm>>) target_semaphore(%run_scoped3A : memref<!tpu.dma_semaphore, #tpu.memory_space<semaphore_mem>>)
          %dma_wait3A_421 = arith.constant 0 : i32
          %dma_wait3A_422 = tpu.memref_slice %arg8[%mul3A_21, %dma_wait3A_421] : memref<320000x128xf32, #tpu.memory_space<hbm>> -> memref<128x128xf32, #tpu.memory_space<hbm>>
          %dma_wait3A_423 = arith.constant 0 : i32
          %dma_wait3A_424 = tpu.memref_slice %arg8[%mul3A_21, %dma_wait3A_423] : memref<320000x128xf32, #tpu.memory_space<hbm>> -> memref<128x128xf32, #tpu.memory_space<hbm>>
          tpu.wait_dma2 semaphore(%run_scoped3A : memref<!tpu.dma_semaphore, #tpu.memory_space<semaphore_mem>>) src(%arg13 : memref<128x128xf32, #tpu.memory_space<vmem>>) dst(%dma_wait3A_424 : memref<128x128xf32, #tpu.memory_space<hbm>>)
          tpu.yield
        }) : () -> ()
      } else {
      }
    }
    %scan3A_9 = arith.constant 80 : i32
    return
  }
}

module attributes {stable_mosaic.version = 14 : i64} {
  func.func @_tables_body(%arg0: i32, %arg1: memref<1000x128xf32, #tpu.memory_space<vmem>>, %arg2: memref<128x128xf32, #tpu.memory_space<vmem>>, %arg3: memref<128x128xf32, #tpu.memory_space<vmem>>, %arg4: memref<1000x128xf32, #tpu.memory_space<vmem>>, %arg5: memref<1000x128xf32, #tpu.memory_space<vmem>>) attributes {dimension_semantics = [#tpu.dimension_semantics<arbitrary>], iteration_bounds = array<i64: 10>, scalar_prefetch = 0 : i64, scratch_operands = 0 : i64, tpu.core_type = #tpu.core_type<tc>, window_params = [{transform_indices = @transform_0, window_bounds = array<i64: 1000, 128>}, {pipeline_mode = #tpu.pipeline_mode<synchronous>, transform_indices = @transform_1, window_bounds = array<i64: 128, 128>}, {pipeline_mode = #tpu.pipeline_mode<synchronous>, transform_indices = @transform_2, window_bounds = array<i64: 128, 128>}, {transform_indices = @transform_3, window_bounds = array<i64: 1000, 128>}, {transform_indices = @transform_4, window_bounds = array<i64: 1000, 128>}]} {
    %get3A = arith.constant 0 : index
    %get3A_0 = arith.constant 0 : index
    %get3A_1 = vector.load %arg1[%get3A, %get3A_0] : memref<1000x128xf32, #tpu.memory_space<vmem>>, vector<1000x128xf32>
    %get3A_2 = arith.constant 0 : index
    %get3A_3 = arith.constant 0 : index
    %get3A_4 = vector.load %arg2[%get3A_2, %get3A_3] : memref<128x128xf32, #tpu.memory_space<vmem>>, vector<128x128xf32>
    %dot_general3A = arith.constant dense<0.000000e+00> : vector<1000x128xf32>
    %dot_general3A_5 = tpu.matmul %get3A_1, %get3A_4, %dot_general3A {dimension_numbers = #tpu.dot_dimension_numbers<[1], [0], [0], [1], [0, 0, 1, 1], [], []>, precision = #tpu.contract_precision<fp32>, transpose_lhs_hint = false} : vector<1000x128xf32>, vector<128x128xf32>, vector<1000x128xf32> -> vector<1000x128xf32>
    %swap3A = arith.constant 0 : index
    %swap3A_6 = arith.constant 0 : index
    %swap3A_7 = vector.load %arg4[%swap3A, %swap3A_6] : memref<1000x128xf32, #tpu.memory_space<vmem>>, vector<1000x128xf32>
    tpu.vector_store %arg4[%swap3A, %swap3A_6], %dot_general3A_5 {strides = array<i32>} : memref<1000x128xf32, #tpu.memory_space<vmem>>, vector<1000x128xf32>,
    %get3A_8 = arith.constant 0 : index
    %get3A_9 = arith.constant 0 : index
    %get3A_10 = vector.load %arg3[%get3A_8, %get3A_9] : memref<128x128xf32, #tpu.memory_space<vmem>>, vector<128x128xf32>
    %dot_general3A_11 = arith.constant dense<0.000000e+00> : vector<1000x128xf32>
    %dot_general3A_12 = tpu.matmul %get3A_1, %get3A_10, %dot_general3A_11 {dimension_numbers = #tpu.dot_dimension_numbers<[1], [0], [0], [1], [0, 0, 1, 1], [], []>, precision = #tpu.contract_precision<fp32>, transpose_lhs_hint = false} : vector<1000x128xf32>, vector<128x128xf32>, vector<1000x128xf32> -> vector<1000x128xf32>
    %swap3A_13 = arith.constant 0 : index
    %swap3A_14 = arith.constant 0 : index
    %swap3A_15 = vector.load %arg5[%swap3A_13, %swap3A_14] : memref<1000x128xf32, #tpu.memory_space<vmem>>, vector<1000x128xf32>
    tpu.vector_store %arg5[%swap3A_13, %swap3A_14], %dot_general3A_12 {strides = array<i32>} : memref<1000x128xf32, #tpu.memory_space<vmem>>, vector<1000x128xf32>,
    return
  }
  func.func @transform_0(%arg0: i32) -> (i32, i32) {
    %c0_i32 = arith.constant 0 : i32
    %c0_i32_0 = arith.constant 0 : i32
    return %arg0, %c0_i32 : i32, i32
  }
  func.func @transform_1(%arg0: i32) -> (i32, i32) {
    %c0_i32 = arith.constant 0 : i32
    %c0_i32_0 = arith.constant 0 : i32
    %c0_i32_1 = arith.constant 0 : i32
    return %c0_i32, %c0_i32_0 : i32, i32
  }
  func.func @transform_2(%arg0: i32) -> (i32, i32) {
    %c0_i32 = arith.constant 0 : i32
    %c0_i32_0 = arith.constant 0 : i32
    %c0_i32_1 = arith.constant 0 : i32
    return %c0_i32, %c0_i32_0 : i32, i32
  }
  func.func @transform_3(%arg0: i32) -> (i32, i32) {
    %c0_i32 = arith.constant 0 : i32
    %c0_i32_0 = arith.constant 0 : i32
    return %arg0, %c0_i32 : i32, i32
  }
  func.func @transform_4(%arg0: i32) -> (i32, i32) {
    %c0_i32 = arith.constant 0 : i32
    %c0_i32_0 = arith.constant 0 : i32
    return %arg0, %c0_i32 : i32, i32
  }
}

module attributes {stable_mosaic.version = 14 : i64} {
  func.func @_edge_body(%arg0: i32, %arg1: memref<2000x128xf32, #tpu.memory_space<vmem>>, %arg2: memref<2000x128xf32, #tpu.memory_space<vmem>>, %arg3: memref<2000x8xf32, #tpu.memory_space<vmem>>, %arg4: memref<2000x8xf32, #tpu.memory_space<vmem>>, %arg5: memref<8x128xf32, #tpu.memory_space<vmem>>, %arg6: memref<8x128xf32, #tpu.memory_space<vmem>>, %arg7: memref<1x128xf32, #tpu.memory_space<vmem>>, %arg8: memref<128x128xf32, #tpu.memory_space<vmem>>, %arg9: memref<1x128xf32, #tpu.memory_space<vmem>>, %arg10: memref<2000x128xf32, #tpu.memory_space<vmem>>) attributes {dimension_semantics = [#tpu.dimension_semantics<arbitrary>], iteration_bounds = array<i64: 160>, scalar_prefetch = 0 : i64, scratch_operands = 0 : i64, tpu.core_type = #tpu.core_type<tc>, window_params = [{transform_indices = @transform_0, window_bounds = array<i64: 2000, 128>}, {transform_indices = @transform_1, window_bounds = array<i64: 2000, 128>}, {transform_indices = @transform_2, window_bounds = array<i64: 2000, 8>}, {transform_indices = @transform_3, window_bounds = array<i64: 2000, 8>}, {pipeline_mode = #tpu.pipeline_mode<synchronous>, transform_indices = @transform_4, window_bounds = array<i64: 8, 128>}, {pipeline_mode = #tpu.pipeline_mode<synchronous>, transform_indices = @transform_5, window_bounds = array<i64: 8, 128>}, {pipeline_mode = #tpu.pipeline_mode<synchronous>, transform_indices = @transform_6, window_bounds = array<i64: 1, 128>}, {pipeline_mode = #tpu.pipeline_mode<synchronous>, transform_indices = @transform_7, window_bounds = array<i64: 128, 128>}, {pipeline_mode = #tpu.pipeline_mode<synchronous>, transform_indices = @transform_8, window_bounds = array<i64: 1, 128>}, {transform_indices = @transform_9, window_bounds = array<i64: 2000, 128>}]} {
    %get3A = arith.constant 0 : index
    %get3A_0 = arith.constant 0 : index
    %get3A_1 = vector.load %arg1[%get3A, %get3A_0] : memref<2000x128xf32, #tpu.memory_space<vmem>>, vector<2000x128xf32>
    %get3A_2 = arith.constant 0 : index
    %get3A_3 = arith.constant 0 : index
    %get3A_4 = vector.load %arg2[%get3A_2, %get3A_3] : memref<2000x128xf32, #tpu.memory_space<vmem>>, vector<2000x128xf32>
    %add3A = arith.addf %get3A_1, %get3A_4 : vector<2000x128xf32>
    %get3A_5 = arith.constant 0 : index
    %get3A_6 = arith.constant 0 : index
    %get3A_7 = vector.load %arg7[%get3A_5, %get3A_6] : memref<1x128xf32, #tpu.memory_space<vmem>>, vector<1x128xf32>
    %add3A_8 = vector.broadcast %get3A_7 : vector<1x128xf32> to vector<2000x128xf32>
    %add3A_9 = arith.addf %add3A, %add3A_8 : vector<2000x128xf32>
    %get3A_10 = arith.constant 0 : index
    %get3A_11 = arith.constant 0 : index
    %get3A_12 = vector.load %arg3[%get3A_10, %get3A_11] : memref<2000x8xf32, #tpu.memory_space<vmem>>, vector<2000x8xf32>
    %sqrt3A = math.sqrt %get3A_12 : vector<2000x8xf32>
    %get3A_13 = arith.constant 0 : index
    %get3A_14 = arith.constant 0 : index
    %get3A_15 = vector.load %arg5[%get3A_13, %get3A_14] : memref<8x128xf32, #tpu.memory_space<vmem>>, vector<8x128xf32>
    %dot_general3A = arith.constant dense<0.000000e+00> : vector<2000x128xf32>
    %dot_general3A_16 = tpu.matmul %sqrt3A, %get3A_15, %dot_general3A {dimension_numbers = #tpu.dot_dimension_numbers<[1], [0], [0], [1], [0, 0, 1, 1], [], []>, transpose_lhs_hint = false} : vector<2000x8xf32>, vector<8x128xf32>, vector<2000x128xf32> -> vector<2000x128xf32>
    %add3A_17 = arith.addf %add3A_9, %dot_general3A_16 : vector<2000x128xf32>
    %get3A_18 = arith.constant 0 : index
    %get3A_19 = arith.constant 0 : index
    %get3A_20 = vector.load %arg4[%get3A_18, %get3A_19] : memref<2000x8xf32, #tpu.memory_space<vmem>>, vector<2000x8xf32>
    %get3A_21 = arith.constant 0 : index
    %get3A_22 = arith.constant 0 : index
    %get3A_23 = vector.load %arg6[%get3A_21, %get3A_22] : memref<8x128xf32, #tpu.memory_space<vmem>>, vector<8x128xf32>
    %dot_general3A_24 = arith.constant dense<0.000000e+00> : vector<2000x128xf32>
    %dot_general3A_25 = tpu.matmul %get3A_20, %get3A_23, %dot_general3A_24 {dimension_numbers = #tpu.dot_dimension_numbers<[1], [0], [0], [1], [0, 0, 1, 1], [], []>, transpose_lhs_hint = false} : vector<2000x8xf32>, vector<8x128xf32>, vector<2000x128xf32> -> vector<2000x128xf32>
    %add3A_26 = arith.addf %add3A_17, %dot_general3A_25 : vector<2000x128xf32>
    %logistic3A = arith.negf %add3A_26 : vector<2000x128xf32>
    %logistic3A_27 = math.exp %logistic3A : vector<2000x128xf32>
    %logistic3A_28 = arith.constant 1.000000e+00 : f32
    %logistic3A_29 = vector.broadcast %logistic3A_28 : f32 to vector<2000x128xf32>
    %logistic3A_30 = arith.addf %logistic3A_29, %logistic3A_27 : vector<2000x128xf32>
    %logistic3A_31 = arith.divf %logistic3A_29, %logistic3A_30 : vector<2000x128xf32>
    %mul3A = arith.mulf %add3A_26, %logistic3A_31 : vector<2000x128xf32>
    %get3A_32 = arith.constant 0 : index
    %get3A_33 = arith.constant 0 : index
    %get3A_34 = vector.load %arg8[%get3A_32, %get3A_33] : memref<128x128xf32, #tpu.memory_space<vmem>>, vector<128x128xf32>
    %dot_general3A_35 = arith.constant dense<0.000000e+00> : vector<2000x128xf32>
    %dot_general3A_36 = tpu.matmul %mul3A, %get3A_34, %dot_general3A_35 {dimension_numbers = #tpu.dot_dimension_numbers<[1], [0], [0], [1], [0, 0, 1, 1], [], []>, precision = #tpu.contract_precision<fp32>, transpose_lhs_hint = false} : vector<2000x128xf32>, vector<128x128xf32>, vector<2000x128xf32> -> vector<2000x128xf32>
    %get3A_37 = arith.constant 0 : index
    %get3A_38 = arith.constant 0 : index
    %get3A_39 = vector.load %arg9[%get3A_37, %get3A_38] : memref<1x128xf32, #tpu.memory_space<vmem>>, vector<1x128xf32>
    %add3A_40 = vector.broadcast %get3A_39 : vector<1x128xf32> to vector<2000x128xf32>
    %add3A_41 = arith.addf %dot_general3A_36, %add3A_40 : vector<2000x128xf32>
    %logistic3A_42 = arith.negf %add3A_41 : vector<2000x128xf32>
    %logistic3A_43 = math.exp %logistic3A_42 : vector<2000x128xf32>
    %logistic3A_44 = arith.constant 1.000000e+00 : f32
    %logistic3A_45 = vector.broadcast %logistic3A_44 : f32 to vector<2000x128xf32>
    %logistic3A_46 = arith.addf %logistic3A_45, %logistic3A_43 : vector<2000x128xf32>
    %logistic3A_47 = arith.divf %logistic3A_45, %logistic3A_46 : vector<2000x128xf32>
    %mul3A_48 = arith.mulf %add3A_41, %logistic3A_47 : vector<2000x128xf32>
    %swap3A = arith.constant 0 : index
    %swap3A_49 = arith.constant 0 : index
    %swap3A_50 = vector.load %arg10[%swap3A, %swap3A_49] : memref<2000x128xf32, #tpu.memory_space<vmem>>, vector<2000x128xf32>
    tpu.vector_store %arg10[%swap3A, %swap3A_49], %mul3A_48 {strides = array<i32>} : memref<2000x128xf32, #tpu.memory_space<vmem>>, vector<2000x128xf32>,
    return
  }
  func.func @transform_0(%arg0: i32) -> (i32, i32) {
    %c0_i32 = arith.constant 0 : i32
    %c0_i32_0 = arith.constant 0 : i32
    return %arg0, %c0_i32 : i32, i32
  }
  func.func @transform_1(%arg0: i32) -> (i32, i32) {
    %c0_i32 = arith.constant 0 : i32
    %c0_i32_0 = arith.constant 0 : i32
    return %arg0, %c0_i32 : i32, i32
  }
  func.func @transform_2(%arg0: i32) -> (i32, i32) {
    %c0_i32 = arith.constant 0 : i32
    %c0_i32_0 = arith.constant 0 : i32
    return %arg0, %c0_i32 : i32, i32
  }
  func.func @transform_3(%arg0: i32) -> (i32, i32) {
    %c0_i32 = arith.constant 0 : i32
    %c0_i32_0 = arith.constant 0 : i32
    return %arg0, %c0_i32 : i32, i32
  }
  func.func @transform_4(%arg0: i32) -> (i32, i32) {
    %c0_i32 = arith.constant 0 : i32
    %c0_i32_0 = arith.constant 0 : i32
    %c0_i32_1 = arith.constant 0 : i32
    return %c0_i32, %c0_i32_0 : i32, i32
  }
  func.func @transform_5(%arg0: i32) -> (i32, i32) {
    %c0_i32 = arith.constant 0 : i32
    %c0_i32_0 = arith.constant 0 : i32
    %c0_i32_1 = arith.constant 0 : i32
    return %c0_i32, %c0_i32_0 : i32, i32
  }
  func.func @transform_6(%arg0: i32) -> (i32, i32) {
    %c0_i32 = arith.constant 0 : i32
    %c0_i32_0 = arith.constant 0 : i32
    %c0_i32_1 = arith.constant 0 : i32
    return %c0_i32, %c0_i32_0 : i32, i32
  }
  func.func @transform_7(%arg0: i32) -> (i32, i32) {
    %c0_i32 = arith.constant 0 : i32
    %c0_i32_0 = arith.constant 0 : i32
    %c0_i32_1 = arith.constant 0 : i32
    return %c0_i32, %c0_i32_0 : i32, i32
  }
  func.func @transform_8(%arg0: i32) -> (i32, i32) {
    %c0_i32 = arith.constant 0 : i32
    %c0_i32_0 = arith.constant 0 : i32
    %c0_i32_1 = arith.constant 0 : i32
    return %c0_i32, %c0_i32_0 : i32, i32
  }
  func.func @transform_9(%arg0: i32) -> (i32, i32) {
    %c0_i32 = arith.constant 0 : i32
    %c0_i32_0 = arith.constant 0 : i32
    return %arg0, %c0_i32 : i32, i32
  }
}

module attributes {stable_mosaic.version = 14 : i64} {
  func.func @_node_body(%arg0: i32, %arg1: memref<1000x128xf32, #tpu.memory_space<vmem>>, %arg2: memref<1000x128xf32, #tpu.memory_space<vmem>>, %arg3: memref<1000x128xf32, #tpu.memory_space<vmem>>, %arg4: memref<128x128xf32, #tpu.memory_space<vmem>>, %arg5: memref<128x128xf32, #tpu.memory_space<vmem>>, %arg6: memref<1x128xf32, #tpu.memory_space<vmem>>, %arg7: memref<128x128xf32, #tpu.memory_space<vmem>>, %arg8: memref<1x128xf32, #tpu.memory_space<vmem>>, %arg9: memref<1000x128xf32, #tpu.memory_space<vmem>>) attributes {dimension_semantics = [#tpu.dimension_semantics<arbitrary>], iteration_bounds = array<i64: 10>, scalar_prefetch = 0 : i64, scratch_operands = 0 : i64, tpu.core_type = #tpu.core_type<tc>, window_params = [{transform_indices = @transform_0, window_bounds = array<i64: 1000, 128>}, {transform_indices = @transform_1, window_bounds = array<i64: 1000, 128>}, {transform_indices = @transform_2, window_bounds = array<i64: 1000, 128>}, {pipeline_mode = #tpu.pipeline_mode<synchronous>, transform_indices = @transform_3, window_bounds = array<i64: 128, 128>}, {pipeline_mode = #tpu.pipeline_mode<synchronous>, transform_indices = @transform_4, window_bounds = array<i64: 128, 128>}, {pipeline_mode = #tpu.pipeline_mode<synchronous>, transform_indices = @transform_5, window_bounds = array<i64: 1, 128>}, {pipeline_mode = #tpu.pipeline_mode<synchronous>, transform_indices = @transform_6, window_bounds = array<i64: 128, 128>}, {pipeline_mode = #tpu.pipeline_mode<synchronous>, transform_indices = @transform_7, window_bounds = array<i64: 1, 128>}, {transform_indices = @transform_8, window_bounds = array<i64: 1000, 128>}]} {
    %get3A = arith.constant 0 : index
    %get3A_0 = arith.constant 0 : index
    %get3A_1 = vector.load %arg1[%get3A, %get3A_0] : memref<1000x128xf32, #tpu.memory_space<vmem>>, vector<1000x128xf32>
    %get3A_2 = arith.constant 0 : index
    %get3A_3 = arith.constant 0 : index
    %get3A_4 = vector.load %arg2[%get3A_2, %get3A_3] : memref<1000x128xf32, #tpu.memory_space<vmem>>, vector<1000x128xf32>
    %get3A_5 = arith.constant 0 : index
    %get3A_6 = arith.constant 0 : index
    %get3A_7 = vector.load %arg3[%get3A_5, %get3A_6] : memref<1000x128xf32, #tpu.memory_space<vmem>>, vector<1000x128xf32>
    %add3A = arith.addf %get3A_4, %get3A_7 : vector<1000x128xf32>
    %get3A_8 = arith.constant 0 : index
    %get3A_9 = arith.constant 0 : index
    %get3A_10 = vector.load %arg4[%get3A_8, %get3A_9] : memref<128x128xf32, #tpu.memory_space<vmem>>, vector<128x128xf32>
    %dot_general3A = arith.constant dense<0.000000e+00> : vector<1000x128xf32>
    %dot_general3A_11 = tpu.matmul %get3A_1, %get3A_10, %dot_general3A {dimension_numbers = #tpu.dot_dimension_numbers<[1], [0], [0], [1], [0, 0, 1, 1], [], []>, precision = #tpu.contract_precision<fp32>, transpose_lhs_hint = false} : vector<1000x128xf32>, vector<128x128xf32>, vector<1000x128xf32> -> vector<1000x128xf32>
    %get3A_12 = arith.constant 0 : index
    %get3A_13 = arith.constant 0 : index
    %get3A_14 = vector.load %arg5[%get3A_12, %get3A_13] : memref<128x128xf32, #tpu.memory_space<vmem>>, vector<128x128xf32>
    %dot_general3A_15 = arith.constant dense<0.000000e+00> : vector<1000x128xf32>
    %dot_general3A_16 = tpu.matmul %add3A, %get3A_14, %dot_general3A_15 {dimension_numbers = #tpu.dot_dimension_numbers<[1], [0], [0], [1], [0, 0, 1, 1], [], []>, precision = #tpu.contract_precision<fp32>, transpose_lhs_hint = false} : vector<1000x128xf32>, vector<128x128xf32>, vector<1000x128xf32> -> vector<1000x128xf32>
    %add3A_17 = arith.addf %dot_general3A_11, %dot_general3A_16 : vector<1000x128xf32>
    %get3A_18 = arith.constant 0 : index
    %get3A_19 = arith.constant 0 : index
    %get3A_20 = vector.load %arg6[%get3A_18, %get3A_19] : memref<1x128xf32, #tpu.memory_space<vmem>>, vector<1x128xf32>
    %add3A_21 = vector.broadcast %get3A_20 : vector<1x128xf32> to vector<1000x128xf32>
    %add3A_22 = arith.addf %add3A_17, %add3A_21 : vector<1000x128xf32>
    %logistic3A = arith.negf %add3A_22 : vector<1000x128xf32>
    %logistic3A_23 = math.exp %logistic3A : vector<1000x128xf32>
    %logistic3A_24 = arith.constant 1.000000e+00 : f32
    %logistic3A_25 = vector.broadcast %logistic3A_24 : f32 to vector<1000x128xf32>
    %logistic3A_26 = arith.addf %logistic3A_25, %logistic3A_23 : vector<1000x128xf32>
    %logistic3A_27 = arith.divf %logistic3A_25, %logistic3A_26 : vector<1000x128xf32>
    %mul3A = arith.mulf %add3A_22, %logistic3A_27 : vector<1000x128xf32>
    %get3A_28 = arith.constant 0 : index
    %get3A_29 = arith.constant 0 : index
    %get3A_30 = vector.load %arg7[%get3A_28, %get3A_29] : memref<128x128xf32, #tpu.memory_space<vmem>>, vector<128x128xf32>
    %dot_general3A_31 = arith.constant dense<0.000000e+00> : vector<1000x128xf32>
    %dot_general3A_32 = tpu.matmul %mul3A, %get3A_30, %dot_general3A_31 {dimension_numbers = #tpu.dot_dimension_numbers<[1], [0], [0], [1], [0, 0, 1, 1], [], []>, precision = #tpu.contract_precision<fp32>, transpose_lhs_hint = false} : vector<1000x128xf32>, vector<128x128xf32>, vector<1000x128xf32> -> vector<1000x128xf32>
    %get3A_33 = arith.constant 0 : index
    %get3A_34 = arith.constant 0 : index
    %get3A_35 = vector.load %arg8[%get3A_33, %get3A_34] : memref<1x128xf32, #tpu.memory_space<vmem>>, vector<1x128xf32>
    %add3A_36 = vector.broadcast %get3A_35 : vector<1x128xf32> to vector<1000x128xf32>
    %add3A_37 = arith.addf %dot_general3A_32, %add3A_36 : vector<1000x128xf32>
    %swap3A = arith.constant 0 : index
    %swap3A_38 = arith.constant 0 : index
    %swap3A_39 = vector.load %arg9[%swap3A, %swap3A_38] : memref<1000x128xf32, #tpu.memory_space<vmem>>, vector<1000x128xf32>
    tpu.vector_store %arg9[%swap3A, %swap3A_38], %add3A_37 {strides = array<i32>} : memref<1000x128xf32, #tpu.memory_space<vmem>>, vector<1000x128xf32>,
    return
  }
  func.func @transform_0(%arg0: i32) -> (i32, i32) {
    %c0_i32 = arith.constant 0 : i32
    %c0_i32_0 = arith.constant 0 : i32
    return %arg0, %c0_i32 : i32, i32
  }
  func.func @transform_1(%arg0: i32) -> (i32, i32) {
    %c0_i32 = arith.constant 0 : i32
    %c0_i32_0 = arith.constant 0 : i32
    return %arg0, %c0_i32 : i32, i32
  }
  func.func @transform_2(%arg0: i32) -> (i32, i32) {
    %c0_i32 = arith.constant 0 : i32
    %c0_i32_0 = arith.constant 0 : i32
    return %arg0, %c0_i32 : i32, i32
  }
  func.func @transform_3(%arg0: i32) -> (i32, i32) {
    %c0_i32 = arith.constant 0 : i32
    %c0_i32_0 = arith.constant 0 : i32
    %c0_i32_1 = arith.constant 0 : i32
    return %c0_i32, %c0_i32_0 : i32, i32
  }
  func.func @transform_4(%arg0: i32) -> (i32, i32) {
    %c0_i32 = arith.constant 0 : i32
    %c0_i32_0 = arith.constant 0 : i32
    %c0_i32_1 = arith.constant 0 : i32
    return %c0_i32, %c0_i32_0 : i32, i32
  }
  func.func @transform_5(%arg0: i32) -> (i32, i32) {
    %c0_i32 = arith.constant 0 : i32
    %c0_i32_0 = arith.constant 0 : i32
    %c0_i32_1 = arith.constant 0 : i32
    return %c0_i32, %c0_i32_0 : i32, i32
  }
  func.func @transform_6(%arg0: i32) -> (i32, i32) {
    %c0_i32 = arith.constant 0 : i32
    %c0_i32_0 = arith.constant 0 : i32
    %c0_i32_1 = arith.constant 0 : i32
    return %c0_i32, %c0_i32_0 : i32, i32
  }
  func.func @transform_7(%arg0: i32) -> (i32, i32) {
    %c0_i32 = arith.constant 0 : i32
    %c0_i32_0 = arith.constant 0 : i32
    %c0_i32_1 = arith.constant 0 : i32
    return %c0_i32, %c0_i32_0 : i32, i32
  }
  func.func @transform_8(%arg0: i32) -> (i32, i32) {
    %c0_i32 = arith.constant 0 : i32
    %c0_i32_0 = arith.constant 0 : i32
    return %arg0, %c0_i32 : i32, i32
  }
}

</mosaic_0001>

<sc_bundles>
// kernel: kernel.10.cloned.1.call-start
scs
__scs_entry_jumppad:
0x0: {  	(pc) =	sbr.rel $0x88, $3  }
0x1: {  	(tag) =	ssettag $0x0;
	lr =	simm.s32 $0x1  }
0x2: {  	[smem:$0x3F95] =	sst lr;
	_ =	strace $0xD0000000  }
0x3: {  	_ = 	snop  }
0x4: {  	_ = 	snop  }
0x5: {  	_ = 	snop  }
0x6: {  	_ = 	snop  }
0x7: {  	_ = 	snop  }
__scs_overlays_trampoline_lowered:
0x8: {  	[smem:$0x3FA4] =	sst s0  }
0x9: {  	[smem:$0x3FA5] =	sst s1  }
0xa: {  	[smem:$0x3FA6] =	sst s2  }
0xb: {  	[smem:$0x3FA7] =	sst s3  }
0xc: {  	[smem:$0x3FA8] =	sst s4  }
0xd: {  	[smem:$0x3FA9] =	sst s5  }
0xe: {  	[smem:$0x3FAA] =	sst s6  }
0xf: {  	[smem:$0x3FAB] =	sst s7  }
0x10: {  	[smem:$0x3FAC] =	sst s8  }
0x11: {  	[smem:$0x3FAD] =	sst s9;
	s0 =	simm.s32 @!p0 $0x0  }
0x12: {  	s1 =	sld [smem:$0x3F93];
	s0 =	simm.s32 @p0 $0x1  }
0x13: {  	[smem:$0x3FAE] =	sst s0;
	s0 =	simm.s32 @!p1 $0x0  }
0x14: {  	s2 =	sld [smem:$0x3F92];
	s0 =	simm.s32 @p1 $0x1  }
0x15: {  	[smem:$0x3FAF] =	sst s0;
	s0 =	simm.s32 @!p2 $0x0  }
0x16: {  	s3 =	sld [smem:$0x3FDB];
	s0 =	simm.s32 @p2 $0x1  }
0x17: {  	s4 =	simm.s32 $0x1BF5;
	[smem:$0x3FB1] =	sst s0  }
0x18: {  	s0 =	sld [smem:$0x3F94];
	_ =	swait.ge [sflag:s4], $0x0  }
0x19: {  	s7 =	sld [smem:$0x3F95]  }
0x1a: {  	s8 =	sadd.s32 $0xFFFFE003, lr  }
0x1b: {  	s9 =	sadd.s32 $0xFFFFFEF7, lr;
	s5 =	simm.s32 $0xFFFFFFFF;
	p2 =	slt.u32 s8, $0xFFFFF086  }
0x1c: {  	p1 =	slt.u32 s9, $0xF7A;
	s5 =	simm.s32 @!p2 $0x0  }
0x1d: {  	s5 =	simm.s32 @p1 $0x1;
	p0 =	seq.s32 s7, s2  }
0x1e: {  	s7 =	smul.u32 @!p0 $0xF7A, s2;
	p2 =	seq.s32 @!p0 s5, $0x0  }
0x1f: {  	s9 =	smul.u32 $0xF7A, s1;
	s8 =	simm.s32 @!p0 $0x1BF5;
	p2 =	por !p2, p0  }
0x20: {  	[sflag:s8] =	ssyncset.s32 @!p0 $0xFFFFF086;
	s6 =	sadd.s32 @!p0 s3, s7;
	s7 =	simm.s32 @!p0 $0x108  }
0x21: {  	s3 =	sadd.s32 s3, s9;
	s6 =	sadd.s32 @!p0 $0x88, s6;
	s7 =	simm.s32 @p2 $0x1082  }
0x22: {  	[simem:s7], [sflag:s8] =	dma.local @!p0 [hbm:s6], $0xF7A  }
0x23: {  	s9 =	sor.u32 $0xD0000000, s2;
	s6 =	simm.s32 $0x108;
	_ =	swait.ge @!p0 [sflag:s8], $0x0  }
0x24: {  	s3 =	sadd.s32 $0x88, s3;
	s6 =	simm.s32 @!p1 $0x1082;
	[sflag:s4] =	ssyncset.s32 $0xFFFFF086  }
0x25: {  	[simem:s6], [sflag:s4] =	dma.local [hbm:s3], $0xF7A  }
0x26: {  	[smem:$0x3F95] =	sst s1;
	(tag) =	ssettag s2;
	_ =	strace s9  }
0x27: {  	s1 =	sld [smem:$0x3FA5]  }
0x28: {  	s2 =	sld [smem:$0x3FA6]  }
0x29: {  	s4 =	sld [smem:$0x3FA8]  }
0x2a: {  	p0 =	seq.s32 s5, $0x0;
	s5 =	sld [smem:$0x3FA9]  }
0x2b: {  	s6 =	sld [smem:$0x3FAA]  }
0x2c: {  	s7 =	sld [smem:$0x3FAB]  }
0x2d: {  	s3 =	simm.s32 $0x108;
	s8 =	sld [smem:$0x3FAC]  }
0x2e: {  	s3 =	simm.s32 @!p0 $0x1082;
	s9 =	sld [smem:$0x3FAD]  }
0x2f: {  	lr =	sadd.s32 s0, s3;
	s0 =	sld [smem:$0x3FA4]  }
0x30: {  	s3 =	sld [smem:$0x3FA7]  }
0x31: {  	[smem:$0x3FB0] =	sst s10  }
0x32: {  	s10 =	sld [smem:$0x3FAE];
	_ =	sdelay $0x3  }
0x33: {  	p0 =	seq.s32 s10, $0x1;
	s10 =	sld [smem:$0x3FB0];
	_ =	sdelay $0x3  }
0x34: {  	[smem:$0x3FB0] =	sst s10  }
0x35: {  	s10 =	sld [smem:$0x3FAF];
	_ =	sdelay $0x3  }
0x36: {  	p1 =	seq.s32 s10, $0x1;
	s10 =	sld [smem:$0x3FB0];
	_ =	sdelay $0x3  }
0x37: {  	[smem:$0x3FB0] =	sst s10  }
0x38: {  	s10 =	sld [smem:$0x3FB1]  }
0x39: {  	_ = 	snop;
	(pc) =	sbr.ind lr, $3  }
0x3a: {  	_ = 	snop  }
0x3b: {  	_ = 	snop  }
0x3c: {  	p2 =	seq.s32 s10, $0x1;
	s10 =	sld [smem:$0x3FB0]  }
0x3d: {  	_ =	shalt  }
0x3e: {  	_ =	shalt  }
0x3f: {  	_ =	shalt  }
0x40: {  	_ =	shalt  }
0x41: {  	_ =	shalt  }
0x42: {  	_ =	shalt  }
0x43: {  	_ =	shalt  }
0x44: {  	_ =	shalt  }
0x45: {  	_ =	shalt  }
0x46: {  	_ =	shalt  }
0x47: {  	_ =	shalt  }
0x48: {  	_ =	shalt  }
0x49: {  	_ =	shalt  }
0x4a: {  	_ =	shalt  }
0x4b: {  	_ =	shalt  }
0x4c: {  	_ =	shalt  }
0x4d: {  	_ =	shalt  }
0x4e: {  	_ =	shalt  }
0x4f: {  	_ =	shalt  }
0x50: {  	_ =	shalt  }
0x51: {  	_ =	shalt  }
0x52: {  	_ =	shalt  }
0x53: {  	_ =	shalt  }
0x54: {  	_ =	shalt  }
0x55: {  	_ =	shalt  }
0x56: {  	_ =	shalt  }
0x57: {  	_ =	shalt  }
0x58: {  	_ =	shalt  }
0x59: {  	_ =	shalt  }
0x5a: {  	_ =	shalt  }
0x5b: {  	_ =	shalt  }
0x5c: {  	_ =	shalt  }
0x5d: {  	_ =	shalt  }
0x5e: {  	_ =	shalt  }
0x5f: {  	_ =	shalt  }
0x60: {  	_ =	shalt  }
0x61: {  	_ =	shalt  }
0x62: {  	_ =	shalt  }
0x63: {  	_ =	shalt  }
0x64: {  	_ =	shalt  }
0x65: {  	_ =	shalt  }
0x66: {  	_ =	shalt  }
0x67: {  	_ =	shalt  }
0x68: {  	_ =	shalt  }
0x69: {  	_ =	shalt  }
0x6a: {  	_ =	shalt  }
0x6b: {  	_ =	shalt  }
0x6c: {  	_ =	shalt  }
0x6d: {  	_ =	shalt  }
0x6e: {  	_ =	shalt  }
0x6f: {  	_ =	shalt  }
0x70: {  	_ =	shalt  }
0x71: {  	_ =	shalt  }
0x72: {  	_ =	shalt  }
0x73: {  	_ =	shalt  }
0x74: {  	_ =	shalt  }
0x75: {  	_ =	shalt  }
0x76: {  	_ =	shalt  }
0x77: {  	_ =	shalt  }
0x78: {  	_ =	shalt  }
0x79: {  	_ =	shalt  }
0x7a: {  	_ =	shalt  }
0x7b: {  	_ =	shalt  }
0x7c: {  	_ =	shalt  }
0x7d: {  	_ =	shalt  }
0x7e: {  	_ =	shalt  }
0x7f: {  	_ =	shalt  }
0x80: {  	_ =	shalt  }
0x81: {  	_ =	shalt  }
0x82: {  	_ =	shalt  }
0x83: {  	_ =	shalt  }
0x84: {  	_ =	shalt  }
0x85: {  	_ =	shalt  }
0x86: {  	_ =	shalt  }
0x87: {  	_ =	shalt  }
.Lfunc_end0:
.L_simem_size_0:
called_computation.1_lowered:
.L_overlay_start_0:
0x88: {  	s2 =	sld [smem:$0x3FD9]  }
0x89: {  	s3 =	sld [smem:$0x3FFE];
	_ =	sdelay $0x1  }
0x8a: {  	s1 =	srdreg.scid  }
0x8b: {  	s0 =	sand.u32 $0x1, s1  }
0x8c: {  	s14 =	sshll.u32 s0, $0xA;
	s2 =	sadd.s32 s3, s2  }
0x8d: {  	s2 =	sadd.s32 s2, s14  }
0x8e: {  	[smem:$0x3FBC] =	sst s2  }
0x8f: {  	_ = 	snop  }
0x90: {  	s2 =	sld [smem:$0x3FD0];
	_ =	sdelay $0x2  }
0x91: {  	s15 =	simm.s32 $0xA;
	s4 =	simm.s32 $0x10  }
0x92: {  	[smem:s4], [sflag:s15] =	dma.local [hbm:s2], $0x1  }
0x93: {  	_ =	swait.eq [sflag:s15], $0x1  }
0x94: {  	[sflag:s15] =	ssyncset.done $0x0  }
0x95: {  	s16 =	sld [smem:$0x10];
	[sflag:s15] =	ssyncadd.s32 $0xFFFFFFFF  }
0x96: {  	s17 =	sld [smem:$0x11];
	(tm) =	ssettm $0x1  }
0x97: {  	s18 =	sld [smem:$0x3FFB];
	_ =	sdelay $0x3  }
0x98: {  	_ =	strace s18  }
0x99: {  	s4 =	sld [smem:$0x3FFC];
	_ =	sdelay $0x3  }
0x9a: {  	_ =	strace s4  }
0x9b: {  	s4 =	sld [smem:$0x3FFD];
	_ =	sdelay $0x3  }
0x9c: {  	_ =	strace s4  }
0x9d: {  	_ =	strace $0x8FFFFFFF  }
0x9e: {  	s19 =	sld [smem:$0x3FDB];
	_ =	sdelay $0x1  }
0x9f: {  	s5 =	simm.s32 $_scs_section_size  }
0xa0: {  	s6 =	simm.s32 $_size__tile_overlayer_lowered;
	s7 =	simm.s32 $_tile_overlayer_lowered  }
0xa1: {  	s22 =	simm.s32 $0x1BFF;
	s21 =	sshll.u32 s7, $0x1;
	s4 =	sadd.s32 s5, s19  }
0xa2: {  	s8 =	simm.s32 $0x0;
	s20 =	sshll.u32 s6, $0x1;
	s6 =	sadd.s32 s21, s4  }
0xa3: {  	[timem:s8], [sflag:s22] =	dma.local [hbm:s6], s20  }
0xa4: {  	_ =	swait.ge [sflag:s22], s20  }
0xa5: {  	s5 =	ssub.s32 $0x0, s20;
	[sflag:s22] =	ssyncset.done $0x0  }
0xa6: {  	[sflag:s22] =	ssyncadd.s32 s5;
	_ =	sdelay $0x1  }
0xa7: {  	s23 =	simm.s32 $0x1B8B  }
0xa8: {  	_ =	swait.ge [sflag:s23], $0x1  }
0xa9: {  	[sflag:s23] =	ssyncset.done $0x0  }
0xaa: {  	s25 =	simm.s32 $0x1B8E;
	s24 =	sld [smem:$0x3FFE];
	[sflag:s23] =	ssyncadd.s32 $0xFFFFFFFF  }
0xab: {  	s26 =	simm.s32 $execute0_lowered;
	[smem:$0x3FD2] =	sst s25  }
0xac: {  	s6 =	sshll.u32 s26, $0x1;
	_ =	strace $0x80000049;
	[dreg:$0x1] =	wrdreg $0xFFFFFFFF  }
0xad: {  	s28 =	simm.s32 $_size_execute0_lowered;
	s4 =	sadd.s32 s4, s6;
	[dreg:$0x0] =	wrdreg $0x0  }
0xae: {  	s6 =	sshll.u32 s28, $0x1;
	[dreg:$0x2] =	wrdreg s4  }
0xaf: {  	[dreg:$0x3] =	wrdreg s6  }
0xb0: {  	[dreg:$0x4] =	wrdreg $0xC0  }
0xb1: {  	_ =	task [dreg:s8], $0x5FFFF  }
0xb2: {  	[dreg:$0x1] =	wrdreg $0xFFFFFFFF  }
0xb3: {  	[dreg:$0x0] =	wrdreg $0x60  }
0xb4: {  	[dreg:$0x2] =	wrdreg s17  }
0xb5: {  	[dreg:$0x3] =	wrdreg s24  }
0xb6: {  	[dreg:$0x4] =	wrdreg s16  }
0xb7: {  	[dreg:$0x5] =	wrdreg $0x68000  }
0xb8: {  	[dreg:$0x6] =	wrdreg $0x9  }
0xb9: {  	_ =	task.clear_ibuf [dreg:s8], $0x7FFFF;
	_ =	strace $0x90000049  }
0xba: {  	s29 =	simm.s32 $0x9;
	_ =	strace $0x8000004B  }
0xbb: {  	_ =	swait.ge [sflag:s29], $0x1  }
0xbc: {  	[sflag:s29] =	ssyncadd.s32 $0xFFFFFFFF  }
0xbd: {  	_ =	strace $0x9000004B  }
0xbe: {  	_ =	sfence  }
0xbf: {  	s30 =	sld [smem:$0x0];
	_ =	sdelay $0x2  }
0xc0: {  	s31 =	sshll.u32 s1, $0xD;
	s1 =	sshrl.u32 s1, $0x2  }
0xc1: {  	s3 =	sand.u32 $0x4000, s31;
	s1 =	sadd.s32 s1, s30  }
0xc2: {  	s0 =	sor.u32 s3, s0;
	s1 =	sshll.u32 s1, $0x11  }
0xc3: {  	s0 =	sor.u32 s1, s0  }
0xc4: {  	s0 =	sadd.s32 $0x8F2B, s0  }
0xc5: {  	[sflag:s0] =	ssyncadd.remote.s32 $0x1  }
0xc6: {  	_ =	sfence.sel $0xFFFF  }
0xc7: {  	[dreg:$0x0] =	wrdreg $0xFFFFFFFF;
	(pc) =	sbr.abs _section_cstart, $3  }
0xc8: {  	[dreg:$0x1] =	wrdreg $0xFFFFFFFF  }
0xc9: {  	_ =	task.clear_ibuf [dreg:s8], $0x2FFFF;
	_ =	strace $0x9FFFFFFF  }
0xca: {  	(tm) =	ssettm $0x7FFFFFFF  }
0xcb: {  	_ =	shalt  }
tec
execute0_lowered:
.L_overlay_start_1:
0x0: {  	(tag) =	ssettag $0x1  }
0x1: {  	s9 =	rddreg [dreg:$0x0]  }
0x2: {  	s4 =	rddreg [dreg:$0x1];
	s1 =	srdreg.scid  }
0x3: {  	s15 =	stileid.u32;
	s0 =	rddreg [dreg:$0x2]  }
0x4: {  	s2 =	rddreg [dreg:$0x3];
	s28 =	smul.u32 $0x50000, s15  }
0x5: {  	s3 =	simm.s32 $0x0;
	s10 =	sand.u32 $0x1, s1;
	s30 =	smul.u32 $0x140, s15  }
0x6: {  	s17 =	simm.s32 $0x3;
	s18 =	simm.s32 $0x2800;
	s5 =	smul.u32 $0x27100, s10  }
0x7: {  	s24 =	sshll.u32 s15, $0x1;
	s1 =	rddreg [dreg:$0x4];
	s29 =	smul.u32 $0x28000, s10  }
0x8: {  	[smem:$0x7FF] =	sst s3;
	s19 =	sor.u32 s10, s24;
	s31 =	smul.u32 $0xA0, s10  }
0x9: {  	s13 =	sadd.s32 $0x13BCE00, s4;
	p0 =	sne.s32 s15, $0x0;
	s6 =	smul.u32 $0xA0, s19  }
0xa: {  	s7 =	ssub.s32 $0x2, s10;
	_ =	strace $0x8000004A;
	s8 =	smul.u32 $0xA00, s19  }
0xb: {  	s11 =	sshrl.u32 s7, $0x1;
	s12 =	smul.u32 $0x28000, s19;
	p1 =	seq.s32 s19, $0x1F  }
0xc: {  	s19 =	simm.s32 $0x0;
	s14 =	sadd.s32 s5, s4;
	s11 =	ssub.s32 s7, s11  }
0xd: {  	s4 =	sadd.s32 s13, s8;
	s5 =	sadd.s32 s9, s12;
	s6 =	sadd.s32 $0x50, s6  }
0xe: {  	s8 =	sadd.s32 $0x3C00, s14;
	s12 =	sadd.s32 s28, s9;
	s25 =	sshll.u32 s6, $0x4  }
0xf: {  	s26 =	sshll.u32 s6, $0xA;
	s16 =	sadd.s32 s29, s12;
	s10 =	sadd.s32 $0x13C00, s5  }
0x10: {  	s6 =	sadd.s32 s13, s25;
	s7 =	sadd.s32 s9, s26;
	s9 =	smax.u32 s11, $0x1  }
0x11: {  	s11 =	sadd.s32 $0x27C00, s5;
	s12 =	sadd.s32 $0x800, s16;
	s13 =	sadd.s32 s31, s30  }
0x12: {  	s14 =	sadd.s32 $0x14800, s16;
	s16 =	sshrl.u32 @!p0 s2, $0x3;
	s15 =	sadd.s32 $0x50, s13  }
.LBB2_1:
0x13: {  	s20 =	simm.s32 @!p0 $0x1C03  }
0x14: {  	[spmem:s16], [sflag:s20] =	dma.local @!p0 [hbm:s0], $0x27100  }
0x15: {  	s20 =	simm.s32 @!p0 $0x3  }
0x16: {  	_ =	swait.ge @!p0 [sflag:s20], $0x27100  }
0x17: {  	[sflag:s20] =	ssyncset.done @!p0 $0x0  }
0x18: {  	[sflag:s20] =	ssyncadd.s32 @!p0 $0xFFFD8F00  }
0x19: {  	[bflag:$0x0] =	sbarrier.arrive $0xFFFF  }
0x1a: {  	[tilespmem:s3], [sflag:$0x3] =	stream.linear.gather [hbm4b:s4+s3], $0x2800, $0x38;
	[tilespmem:$0x1A080] =	vst v63  }
0x1b: {  	_ =	swait.ge [sflag:s17], $0x2800  }
0x1c: {  	p2 =	sgt.u32 s13, $0x1387;
	[sflag:s17] =	ssyncset.done $0x0  }
0x1d: {  	s21 =	simm.s32 @!p2 $0x0;
	[sflag:s17] =	ssyncadd.s32 $0xFFFFD800  }
0x1e: {  	[tilespmem:s18], [sflag:$0x1] =	stream.linear.gather [hbm4b:s5+s3], $0x2000, $0x38;
	[tilespmem:$0x1A080] =	vst v63  }
0x1f: {  	s22 =	simm.s32 @!p2 $0x4800;
	s23 =	simm.s32 @!p2 $0x1;
	s20 =	sadd.s32 @!p2 $0xFFFFFC00, s12  }
0x20: {  	[tilespmem:s22], [sflag:$0x2] =	stream.linear.gather @!p2 [hbm4b:s20+s21], $0x2000, $0x38;
	[tilespmem:$0x1A080] =	vst v63  }
0x21: {  	_ =	swait.ge @!p2 [sflag:s23], $0x2000  }
0x22: {  	s24 =	simm.s32 @!p2 $0x40;
	s20 =	simm.s32 @!p2 $0x2800;
	[sflag:s23] =	ssyncset.done @!p2 $0x0  }
0x23: {  	s21 =	simm.s32 @!p2 $0x0;
	[sflag:s23] =	ssyncadd.s32 @!p2 $0xFFFFE000;
	s23 =	simm.s32 @!p2 $0x4  }
0x24: {  	[spmem:s2] =	stream.indirect.scatter.add.f32 @!p2 [tilespmem:s20], [sflag:$0x4], $0x80, s21, s24, $0xb8;
	[tilespmem:$0x1A080] =	vst v63  }
0x25: {  	p3 =	sgt.u32 @!p2 s13, $0x1385;
	_ =	swait.ge @!p2 [sflag:s23], $0x2000  }
0x26: {  	s25 =	simm.s32 @!p2 $0x2;
	p3 =	por p3, p2;
	[sflag:s23] =	ssyncset.done @!p2 $0x0  }
0x27: {  	s20 =	simm.s32 @!p3 $0x0;
	s21 =	simm.s32 @!p3 $0x2800;
	[sflag:s23] =	ssyncadd.s32 @!p2 $0xFFFFE000  }
0x28: {  	[tilespmem:s21], [sflag:$0x1] =	stream.linear.gather @!p3 [hbm4b:s12+s20], $0x2000, $0x38;
	[tilespmem:$0x1A080] =	vst v63  }
0x29: {  	_ =	swait.ge @!p2 [sflag:s25], $0x2000  }
0x2a: {  	p3 =	por p2, p2;
	[sflag:s25] =	ssyncset.done @!p2 $0x0  }
0x2b: {  	s20 =	simm.s32 @!p2 $0x80;
	s21 =	sadd.s32 $0x2, s13;
	[sflag:s25] =	ssyncadd.s32 @!p3 $0xFFFFE000  }
0x2c: {  	[spmem:s2] =	stream.indirect.scatter.add.f32 @!p3 [tilespmem:s22], [sflag:$0x3], $0x80, s20, s24, $0xb8;
	[tilespmem:$0x1A080] =	vst v63  }
0x2d: {  	s23 =	simm.s32 $0x400;
	p2 =	sgt.u32 s21, $0x1387;
	s24 =	simm.s32 @!p3 $0x3  }
0x2e: {  	s22 =	simm.s32 $0x800;
	s20 =	sadd.s32 $0x800, s12;
	_ =	swait.ge @!p3 [sflag:s24], $0x2000  }
.LBB2_2:
0x2f: {  	s25 =	sadd.s32 @!p2 $0xFFFFFC00, s20  }
0x30: {  	s26 =	simm.s32 @!p2 $0x0;
	[sflag:s24] =	ssyncset.done @!p3 $0x0;
	s28 =	smov.u32 s22  }
0x31: {  	s29 =	simm.s32 @!p2 $0x4800;
	s30 =	simm.s32 @!p2 $0x1;
	[sflag:s24] =	ssyncadd.s32 @!p3 $0xFFFFE000  }
0x32: {  	[tilespmem:s29], [sflag:$0x2] =	stream.linear.gather @!p2 [hbm4b:s25+s26], $0x2000, $0x38;
	[tilespmem:$0x1A080] =	vst v63  }
0x33: {  	s22 =	sadd.s32 $0x400, s22;
	s24 =	simm.s32 @!p2 $0x2800;
	_ =	swait.ge @!p2 [sflag:s30], $0x2000  }
0x34: {  	s23 =	sshra.s32 @!p2 s23, $0x2;
	s25 =	simm.s32 @!p2 $0x40;
	[sflag:s30] =	ssyncset.done @!p2 $0x0  }
0x35: {  	p3 =	sgt.u32 @!p2 s21, $0x1385;
	s26 =	simm.s32 @!p2 $0x4;
	[sflag:s30] =	ssyncadd.s32 @!p2 $0xFFFFE000  }
0x36: {  	[spmem:s2] =	stream.indirect.scatter.add.f32 @!p2 [tilespmem:s24], [sflag:$0x4], $0x80, s23, s25, $0xb8;
	[tilespmem:$0x1A080] =	vst v63  }
0x37: {  	p3 =	por p3, p2;
	s30 =	sadd.s32 @!p2 $0x80, s23;
	_ =	swait.ge @!p2 [sflag:s26], $0x2000  }
0x38: {  	s23 =	simm.s32 @!p3 $0x0;
	s24 =	simm.s32 @!p3 $0x2800;
	[sflag:s26] =	ssyncset.done @!p2 $0x0  }
0x39: {  	p4 =	sne.s32 s22, $0x9C00;
	[sflag:s26] =	ssyncadd.s32 @!p2 $0xFFFFE000;
	s26 =	simm.s32 @!p2 $0x2  }
0x3a: {  	[tilespmem:s24], [sflag:$0x1] =	stream.linear.gather @!p3 [hbm4b:s20+s23], $0x2000, $0x38;
	[tilespmem:$0x1A080] =	vst v63  }
.Ltmp0:
0x3b: {  	s23 =	smov.u32 s28;
	_ =	swait.ge @!p2 [sflag:s26], $0x2000;
	(pc) =	sbr.rel @p4 .LBB2_2-.Ltmp0, $4  }
0x3c: {  	p3 =	por p2, p2;
	[sflag:s26] =	ssyncset.done @!p2 $0x0  }
0x3d: {  	s21 =	sadd.s32 $0x2, s21;
	s24 =	simm.s32 @!p3 $0x3;
	[sflag:s26] =	ssyncadd.s32 @!p3 $0xFFFFE000  }
0x3e: {  	[spmem:s2] =	stream.indirect.scatter.add.f32 @!p3 [tilespmem:s29], [sflag:$0x3], $0x80, s30, s25, $0xb8;
	[tilespmem:$0x1A080] =	vst v63  }
0x3f: {  	s20 =	sadd.s32 $0x800, s20;
	p2 =	sgt.u32 s21, $0x1387;
	_ =	swait.ge @!p3 [sflag:s24], $0x2000  }
0x40: {  	s22 =	sadd.s32 @!p2 $0xFFFFFC00, s20;
	s25 =	simm.s32 @!p2 $0x0;
	[sflag:s24] =	ssyncset.done @!p3 $0x0  }
0x41: {  	s26 =	simm.s32 @!p2 $0x4800;
	s28 =	simm.s32 @!p2 $0x1;
	[sflag:s24] =	ssyncadd.s32 @!p3 $0xFFFFE000  }
0x42: {  	[tilespmem:s26], [sflag:$0x2] =	stream.linear.gather @!p2 [hbm4b:s22+s25], $0x2000, $0x38;
	[tilespmem:$0x1A080] =	vst v63  }
0x43: {  	s23 =	sshra.s32 @!p2 s23, $0x2;
	_ =	swait.ge @!p2 [sflag:s28], $0x2000  }
0x44: {  	s24 =	simm.s32 @!p2 $0x40;
	p3 =	sgt.u32 @!p2 s21, $0x1385;
	[sflag:s28] =	ssyncset.done @!p2 $0x0  }
0x45: {  	s22 =	simm.s32 @!p2 $0x2800;
	s25 =	simm.s32 @!p2 $0x4;
	[sflag:s28] =	ssyncadd.s32 @!p2 $0xFFFFE000  }
0x46: {  	[spmem:s2] =	stream.indirect.scatter.add.f32 @!p2 [tilespmem:s22], [sflag:$0x4], $0x80, s23, s24, $0xb8;
	[tilespmem:$0x1A080] =	vst v63  }
0x47: {  	p3 =	por p3, p2;
	_ =	swait.ge @!p2 [sflag:s25], $0x2000  }
0x48: {  	s21 =	simm.s32 @!p3 $0x0;
	[sflag:s25] =	ssyncset.done @!p2 $0x0  }
0x49: {  	s22 =	simm.s32 @!p3 $0x2800;
	[sflag:s25] =	ssyncadd.s32 @!p2 $0xFFFFE000;
	s25 =	simm.s32 @!p2 $0x2  }
0x4a: {  	[tilespmem:s22], [sflag:$0x1] =	stream.linear.gather @!p3 [hbm4b:s20+s21], $0x2000, $0x38;
	[tilespmem:$0x1A080] =	vst v63  }
0x4b: {  	_ =	swait.ge @!p2 [sflag:s25], $0x2000  }
0x4c: {  	p3 =	por p2, p2;
	[sflag:s25] =	ssyncset.done @!p2 $0x0  }
0x4d: {  	s20 =	sadd.s32 @!p2 $0x80, s23;
	s21 =	simm.s32 @!p3 $0x3;
	[sflag:s25] =	ssyncadd.s32 @!p3 $0xFFFFE000  }
0x4e: {  	[spmem:s2] =	stream.indirect.scatter.add.f32 @!p3 [tilespmem:s26], [sflag:$0x3], $0x80, s20, s24, $0xb8;
	[tilespmem:$0x1A080] =	vst v63  }
0x4f: {  	_ =	swait.ge @!p3 [sflag:s21], $0x2000  }
0x50: {  	s22 =	simm.s32 @!p1 $0x1;
	[sflag:s21] =	ssyncset.done @!p3 $0x0  }
0x51: {  	s20 =	simm.s32 @!p1 $0x0;
	[sflag:s21] =	ssyncadd.s32 @!p3 $0xFFFFE000;
	s21 =	simm.s32 @!p1 $0x4800  }
0x52: {  	[tilespmem:s21], [sflag:$0x2] =	stream.linear.gather @!p1 [hbm4b:s10+s20], $0x2000, $0x38;
	[tilespmem:$0x1A080] =	vst v63  }
0x53: {  	_ =	swait.ge @!p1 [sflag:s22], $0x2000  }
0x54: {  	s23 =	simm.s32 @!p1 $0x2700;
	[sflag:s22] =	ssyncset.done @!p1 $0x0  }
0x55: {  	s24 =	simm.s32 @!p1 $0x2800;
	[sflag:s22] =	ssyncadd.s32 @!p1 $0xFFFFE000;
	s22 =	simm.s32 @!p1 $0x40  }
0x56: {  	[spmem:s2] =	stream.indirect.scatter.add.f32 @!p1 [tilespmem:s24], [sflag:$0x4], $0x80, s23, s22, $0xb8;
	[tilespmem:$0x1A080] =	vst v63  }
0x57: {  	s23 =	simm.s32 @!p1 $0x4  }
0x58: {  	_ =	swait.ge @!p1 [sflag:s23], $0x2000  }
0x59: {  	[sflag:s23] =	ssyncset.done @!p1 $0x0  }
0x5a: {  	[sflag:s23] =	ssyncadd.s32 @!p1 $0xFFFFE000;
	s23 =	simm.s32 @!p1 $0x2  }
0x5b: {  	_ =	swait.ge @!p1 [sflag:s23], $0x2000  }
0x5c: {  	[sflag:s23] =	ssyncset.done @!p1 $0x0  }
0x5d: {  	[sflag:s23] =	ssyncadd.s32 @!p1 $0xFFFFE000;
	s23 =	simm.s32 @!p1 $0x2780  }
0x5e: {  	[spmem:s2] =	stream.indirect.scatter.add.f32 @!p1 [tilespmem:s21], [sflag:$0x3], $0x80, s23, s22, $0xb8;
	[tilespmem:$0x1A080] =	vst v63  }
0x5f: {  	s21 =	simm.s32 @!p1 $0x3  }
0x60: {  	_ =	swait.ge @!p1 [sflag:s21], $0x2000  }
0x61: {  	[sflag:s21] =	ssyncset.done @!p1 $0x0  }
0x62: {  	[sflag:s21] =	ssyncadd.s32 @!p1 $0xFFFFE000  }
0x63: {  	[tilespmem:s3], [sflag:$0x3] =	stream.linear.gather [hbm4b:s6+s3], $0x2800, $0x38;
	[tilespmem:$0x1A080] =	vst v63  }
0x64: {  	_ =	swait.ge [sflag:s17], $0x2800  }
0x65: {  	p2 =	sgt.u32 s15, $0x1387;
	[sflag:s17] =	ssyncset.done $0x0  }
0x66: {  	s22 =	simm.s32 @!p2 $0x4800;
	[sflag:s17] =	ssyncadd.s32 $0xFFFFD800  }
0x67: {  	[tilespmem:s24], [sflag:$0x1] =	stream.linear.gather @!p1 [hbm4b:s7+s20], $0x2000, $0x38;
	[tilespmem:$0x1A080] =	vst v63  }
0x68: {  	s23 =	simm.s32 @!p2 $0x1;
	s21 =	simm.s32 @!p2 $0x0;
	s20 =	sadd.s32 @!p2 $0xFFFFFC00, s14  }
0x69: {  	[tilespmem:s22], [sflag:$0x2] =	stream.linear.gather @!p2 [hbm4b:s20+s21], $0x2000, $0x38;
	[tilespmem:$0x1A080] =	vst v63  }
0x6a: {  	_ =	swait.ge @!p2 [sflag:s23], $0x2000  }
0x6b: {  	s24 =	simm.s32 @!p2 $0x40;
	s20 =	simm.s32 @!p2 $0x2800;
	[sflag:s23] =	ssyncset.done @!p2 $0x0  }
0x6c: {  	s21 =	simm.s32 @!p2 $0x0;
	[sflag:s23] =	ssyncadd.s32 @!p2 $0xFFFFE000;
	s23 =	simm.s32 @!p2 $0x4  }
0x6d: {  	[spmem:s2] =	stream.indirect.scatter.add.f32 @!p2 [tilespmem:s20], [sflag:$0x4], $0x80, s21, s24, $0xb8;
	[tilespmem:$0x1A080] =	vst v63  }
0x6e: {  	p3 =	sgt.u32 @!p2 s15, $0x1385;
	_ =	swait.ge @!p2 [sflag:s23], $0x2000  }
0x6f: {  	s25 =	simm.s32 @!p2 $0x2;
	p3 =	por p3, p2;
	[sflag:s23] =	ssyncset.done @!p2 $0x0  }
0x70: {  	s20 =	simm.s32 @!p3 $0x0;
	s21 =	simm.s32 @!p3 $0x2800;
	[sflag:s23] =	ssyncadd.s32 @!p2 $0xFFFFE000  }
0x71: {  	[tilespmem:s21], [sflag:$0x1] =	stream.linear.gather @!p3 [hbm4b:s14+s20], $0x2000, $0x38;
	[tilespmem:$0x1A080] =	vst v63  }
0x72: {  	_ =	swait.ge @!p2 [sflag:s25], $0x2000  }
0x73: {  	p3 =	por p2, p2;
	[sflag:s25] =	ssyncset.done @!p2 $0x0  }
0x74: {  	s20 =	simm.s32 @!p2 $0x80;
	s21 =	sadd.s32 $0x2, s15;
	[sflag:s25] =	ssyncadd.s32 @!p3 $0xFFFFE000  }
0x75: {  	[spmem:s2] =	stream.indirect.scatter.add.f32 @!p3 [tilespmem:s22], [sflag:$0x3], $0x80, s20, s24, $0xb8;
	[tilespmem:$0x1A080] =	vst v63  }
0x76: {  	s23 =	simm.s32 $0x400;
	p2 =	sgt.u32 s21, $0x1387;
	s24 =	simm.s32 @!p3 $0x3  }
0x77: {  	s22 =	simm.s32 $0x800;
	s20 =	sadd.s32 $0x800, s14;
	_ =	swait.ge @!p3 [sflag:s24], $0x2000  }
.LBB2_4:
0x78: {  	s25 =	sadd.s32 @!p2 $0xFFFFFC00, s20  }
0x79: {  	s26 =	simm.s32 @!p2 $0x0;
	[sflag:s24] =	ssyncset.done @!p3 $0x0;
	s28 =	smov.u32 s22  }
0x7a: {  	s29 =	simm.s32 @!p2 $0x4800;
	s30 =	simm.s32 @!p2 $0x1;
	[sflag:s24] =	ssyncadd.s32 @!p3 $0xFFFFE000  }
0x7b: {  	[tilespmem:s29], [sflag:$0x2] =	stream.linear.gather @!p2 [hbm4b:s25+s26], $0x2000, $0x38;
	[tilespmem:$0x1A080] =	vst v63  }
0x7c: {  	s22 =	sadd.s32 $0x400, s22;
	s24 =	simm.s32 @!p2 $0x2800;
	_ =	swait.ge @!p2 [sflag:s30], $0x2000  }
0x7d: {  	s23 =	sshra.s32 @!p2 s23, $0x2;
	s25 =	simm.s32 @!p2 $0x40;
	[sflag:s30] =	ssyncset.done @!p2 $0x0  }
0x7e: {  	p3 =	sgt.u32 @!p2 s21, $0x1385;
	s26 =	simm.s32 @!p2 $0x4;
	[sflag:s30] =	ssyncadd.s32 @!p2 $0xFFFFE000  }
0x7f: {  	[spmem:s2] =	stream.indirect.scatter.add.f32 @!p2 [tilespmem:s24], [sflag:$0x4], $0x80, s23, s25, $0xb8;
	[tilespmem:$0x1A080] =	vst v63  }
0x80: {  	p3 =	por p3, p2;
	s30 =	sadd.s32 @!p2 $0x80, s23;
	_ =	swait.ge @!p2 [sflag:s26], $0x2000  }
0x81: {  	s23 =	simm.s32 @!p3 $0x0;
	s24 =	simm.s32 @!p3 $0x2800;
	[sflag:s26] =	ssyncset.done @!p2 $0x0  }
0x82: {  	p4 =	sne.s32 s22, $0x9C00;
	[sflag:s26] =	ssyncadd.s32 @!p2 $0xFFFFE000;
	s26 =	simm.s32 @!p2 $0x2  }
0x83: {  	[tilespmem:s24], [sflag:$0x1] =	stream.linear.gather @!p3 [hbm4b:s20+s23], $0x2000, $0x38;
	[tilespmem:$0x1A080] =	vst v63  }
.Ltmp1:
0x84: {  	s23 =	smov.u32 s28;
	_ =	swait.ge @!p2 [sflag:s26], $0x2000;
	(pc) =	sbr.rel @p4 .LBB2_4-.Ltmp1, $4  }
0x85: {  	p3 =	por p2, p2;
	[sflag:s26] =	ssyncset.done @!p2 $0x0  }
0x86: {  	s21 =	sadd.s32 $0x2, s21;
	s24 =	simm.s32 @!p3 $0x3;
	[sflag:s26] =	ssyncadd.s32 @!p3 $0xFFFFE000  }
0x87: {  	[spmem:s2] =	stream.indirect.scatter.add.f32 @!p3 [tilespmem:s29], [sflag:$0x3], $0x80, s30, s25, $0xb8;
	[tilespmem:$0x1A080] =	vst v63  }
0x88: {  	s20 =	sadd.s32 $0x800, s20;
	p2 =	sgt.u32 s21, $0x1387;
	_ =	swait.ge @!p3 [sflag:s24], $0x2000  }
0x89: {  	s22 =	sadd.s32 @!p2 $0xFFFFFC00, s20;
	s25 =	simm.s32 @!p2 $0x0;
	[sflag:s24] =	ssyncset.done @!p3 $0x0  }
0x8a: {  	s26 =	simm.s32 @!p2 $0x4800;
	s28 =	simm.s32 @!p2 $0x1;
	[sflag:s24] =	ssyncadd.s32 @!p3 $0xFFFFE000  }
0x8b: {  	[tilespmem:s26], [sflag:$0x2] =	stream.linear.gather @!p2 [hbm4b:s22+s25], $0x2000, $0x38;
	[tilespmem:$0x1A080] =	vst v63  }
0x8c: {  	s23 =	sshra.s32 @!p2 s23, $0x2;
	_ =	swait.ge @!p2 [sflag:s28], $0x2000  }
0x8d: {  	s24 =	simm.s32 @!p2 $0x40;
	p3 =	sgt.u32 @!p2 s21, $0x1385;
	[sflag:s28] =	ssyncset.done @!p2 $0x0  }
0x8e: {  	s22 =	simm.s32 @!p2 $0x2800;
	s25 =	simm.s32 @!p2 $0x4;
	[sflag:s28] =	ssyncadd.s32 @!p2 $0xFFFFE000  }
0x8f: {  	[spmem:s2] =	stream.indirect.scatter.add.f32 @!p2 [tilespmem:s22], [sflag:$0x4], $0x80, s23, s24, $0xb8;
	[tilespmem:$0x1A080] =	vst v63  }
0x90: {  	p3 =	por p3, p2;
	_ =	swait.ge @!p2 [sflag:s25], $0x2000  }
0x91: {  	s21 =	simm.s32 @!p3 $0x0;
	[sflag:s25] =	ssyncset.done @!p2 $0x0  }
0x92: {  	s22 =	simm.s32 @!p3 $0x2800;
	[sflag:s25] =	ssyncadd.s32 @!p2 $0xFFFFE000;
	s25 =	simm.s32 @!p2 $0x2  }
0x93: {  	[tilespmem:s22], [sflag:$0x1] =	stream.linear.gather @!p3 [hbm4b:s20+s21], $0x2000, $0x38;
	[tilespmem:$0x1A080] =	vst v63  }
0x94: {  	_ =	swait.ge @!p2 [sflag:s25], $0x2000  }
0x95: {  	p3 =	por p2, p2;
	[sflag:s25] =	ssyncset.done @!p2 $0x0  }
0x96: {  	s20 =	sadd.s32 @!p2 $0x80, s23;
	s21 =	simm.s32 @!p3 $0x3;
	[sflag:s25] =	ssyncadd.s32 @!p3 $0xFFFFE000  }
0x97: {  	[spmem:s2] =	stream.indirect.scatter.add.f32 @!p3 [tilespmem:s26], [sflag:$0x3], $0x80, s20, s24, $0xb8;
	[tilespmem:$0x1A080] =	vst v63  }
0x98: {  	_ =	swait.ge @!p3 [sflag:s21], $0x2000  }
0x99: {  	[sflag:s21] =	ssyncset.done @!p3 $0x0  }
0x9a: {  	s20 =	simm.s32 @!p1 $0x0;
	[sflag:s21] =	ssyncadd.s32 @!p3 $0xFFFFE000;
	s21 =	simm.s32 @!p1 $0x4800  }
0x9b: {  	[tilespmem:s21], [sflag:$0x2] =	stream.linear.gather @!p1 [hbm4b:s11+s20], $0x2000, $0x38;
	[tilespmem:$0x1A080] =	vst v63  }
0x9c: {  	s20 =	simm.s32 @!p1 $0x1  }
0x9d: {  	_ =	swait.ge @!p1 [sflag:s20], $0x2000  }
0x9e: {  	s22 =	simm.s32 @!p1 $0x2700;
	[sflag:s20] =	ssyncset.done @!p1 $0x0  }
0x9f: {  	s23 =	simm.s32 @!p1 $0x2800;
	[sflag:s20] =	ssyncadd.s32 @!p1 $0xFFFFE000;
	s20 =	simm.s32 @!p1 $0x40  }
0xa0: {  	[spmem:s2] =	stream.indirect.scatter.add.f32 @!p1 [tilespmem:s23], [sflag:$0x4], $0x80, s22, s20, $0xb8;
	[tilespmem:$0x1A080] =	vst v63  }
0xa1: {  	s22 =	simm.s32 @!p1 $0x4  }
0xa2: {  	_ =	swait.ge @!p1 [sflag:s22], $0x2000  }
0xa3: {  	[sflag:s22] =	ssyncset.done @!p1 $0x0  }
0xa4: {  	[sflag:s22] =	ssyncadd.s32 @!p1 $0xFFFFE000;
	s22 =	simm.s32 @!p1 $0x2  }
0xa5: {  	_ =	swait.ge @!p1 [sflag:s22], $0x2000  }
0xa6: {  	[sflag:s22] =	ssyncset.done @!p1 $0x0  }
0xa7: {  	[sflag:s22] =	ssyncadd.s32 @!p1 $0xFFFFE000;
	s22 =	simm.s32 @!p1 $0x2780  }
0xa8: {  	[spmem:s2] =	stream.indirect.scatter.add.f32 @!p1 [tilespmem:s21], [sflag:$0x3], $0x80, s22, s20, $0xb8;
	[tilespmem:$0x1A080] =	vst v63  }
0xa9: {  	s20 =	simm.s32 @!p1 $0x3  }
0xaa: {  	_ =	swait.ge @!p1 [sflag:s20], $0x2000  }
0xab: {  	[sflag:s20] =	ssyncset.done @!p1 $0x0  }
0xac: {  	s19 =	sadd.s32 $0x1, s19;
	[sflag:s20] =	ssyncadd.s32 @!p1 $0xFFFFE000  }
0xad: {  	p2 =	sne.s32 s19, s9;
	s20 =	simm.s32 @!p0 $0x1C03;
	[bflag:$0x0] =	sbarrier.arrive $0xFFFF  }
0xae: {  	[hbm:s8], [sflag:s20] =	dma.local @!p0 [spmem:s16], $0x27100  }
.Ltmp2:
0xaf: {  	_ = 	snop;
	(pc) =	sbr.rel @p2 .LBB2_1-.Ltmp2, $4  }
0xb0: {  	s20 =	simm.s32 @!p0 $0x3  }
0xb1: {  	_ =	swait.ge @!p0 [sflag:s20], $0x27100  }
0xb2: {  	[sflag:s20] =	ssyncset.done @!p0 $0x0  }
0xb3: {  	[sflag:s20] =	ssyncadd.s32 @!p0 $0xFFFD8F00  }
0xb4: {  	_ =	sfence.sel $0x180000  }
0xb5: {  	[bflag:$0x0] =	sbarrier.arrive $0xFFFF  }
0xb6: {  	_ =	strace $0x9000004A  }
0xb7: {  	s0 =	sadd.s32 @!p0 $0x100000, s1;
	[bflag:$0x2] =	sbarrier.arrive $0xFFFF  }
0xb8: {  	[sflag:s0] =	ssyncadd.tile.s32 @!p0 $0x1;
	_ =	shalt  }
.Lfunc_end2:
_tile_overlayer_lowered:
.L_overlay_start_2:
0xb9: {  	(tag) =	ssettag $0x2  }
0xba: {  	s0 =	rddreg [dreg:$0x0];
	s2 =	stileid.u32  }
0xbb: {  	s1 =	rddreg [dreg:$0x1];
	p0 =	sne.s32 s2, $0x0  }
0xbc: {  	s3 =	rddreg [dreg:$0x2];
	[bflag:$0x3] =	sbarrier.arrive $0xFFFF;
	s2 =	simm.s32 @!p0 $0x1C03  }
0xbd: {  	[timem:s3], [sflag:s2] =	dma.local @!p0 [hbm:s0], s1  }
0xbe: {  	s0 =	simm.s32 @!p0 $0x3  }
0xbf: {  	_ =	swait.ge @!p0 [sflag:s0], s1  }
0xc0: {  	s1 =	ssub.s32 @!p0 $0x0, s1;
	[sflag:s0] =	ssyncset.done @!p0 $0x0  }
0xc1: {  	[sflag:s0] =	ssyncadd.s32 @!p0 s1  }
0xc2: {  	[bflag:$0x3] =	sbarrier.arrive $0xFFFF  }
0xc3: {  	_ =	shalt  }

// kernel: kernel.7.cloned.1.call-start
scs
__scs_entry_jumppad:
0x0: {  	(pc) =	sbr.rel $0x88, $3  }
0x1: {  	(tag) =	ssettag $0x0;
	lr =	simm.s32 $0x1  }
0x2: {  	[smem:$0x3F95] =	sst lr;
	_ =	strace $0xD0000000  }
0x3: {  	_ = 	snop  }
0x4: {  	_ = 	snop  }
0x5: {  	_ = 	snop  }
0x6: {  	_ = 	snop  }
0x7: {  	_ = 	snop  }
__scs_overlays_trampoline_lowered:
0x8: {  	[smem:$0x3FA4] =	sst s0  }
0x9: {  	[smem:$0x3FA5] =	sst s1  }
0xa: {  	[smem:$0x3FA6] =	sst s2  }
0xb: {  	[smem:$0x3FA7] =	sst s3  }
0xc: {  	[smem:$0x3FA8] =	sst s4  }
0xd: {  	[smem:$0x3FA9] =	sst s5  }
0xe: {  	[smem:$0x3FAA] =	sst s6  }
0xf: {  	[smem:$0x3FAB] =	sst s7  }
0x10: {  	[smem:$0x3FAC] =	sst s8  }
0x11: {  	[smem:$0x3FAD] =	sst s9;
	s0 =	simm.s32 @!p0 $0x0  }
0x12: {  	s1 =	sld [smem:$0x3F93];
	s0 =	simm.s32 @p0 $0x1  }
0x13: {  	[smem:$0x3FAE] =	sst s0;
	s0 =	simm.s32 @!p1 $0x0  }
0x14: {  	s2 =	sld [smem:$0x3F92];
	s0 =	simm.s32 @p1 $0x1  }
0x15: {  	[smem:$0x3FAF] =	sst s0;
	s0 =	simm.s32 @!p2 $0x0  }
0x16: {  	s3 =	sld [smem:$0x3FDB];
	s0 =	simm.s32 @p2 $0x1  }
0x17: {  	s4 =	simm.s32 $0x1BF5;
	[smem:$0x3FB1] =	sst s0  }
0x18: {  	s0 =	sld [smem:$0x3F94];
	_ =	swait.ge [sflag:s4], $0x0  }
0x19: {  	s7 =	sld [smem:$0x3F95]  }
0x1a: {  	s8 =	sadd.s32 $0xFFFFE003, lr  }
0x1b: {  	s9 =	sadd.s32 $0xFFFFFEF7, lr;
	s5 =	simm.s32 $0xFFFFFFFF;
	p2 =	slt.u32 s8, $0xFFFFF086  }
0x1c: {  	p1 =	slt.u32 s9, $0xF7A;
	s5 =	simm.s32 @!p2 $0x0  }
0x1d: {  	s5 =	simm.s32 @p1 $0x1;
	p0 =	seq.s32 s7, s2  }
0x1e: {  	s7 =	smul.u32 @!p0 $0xF7A, s2;
	p2 =	seq.s32 @!p0 s5, $0x0  }
0x1f: {  	s9 =	smul.u32 $0xF7A, s1;
	s8 =	simm.s32 @!p0 $0x1BF5;
	p2 =	por !p2, p0  }
0x20: {  	[sflag:s8] =	ssyncset.s32 @!p0 $0xFFFFF086;
	s6 =	sadd.s32 @!p0 s3, s7;
	s7 =	simm.s32 @!p0 $0x108  }
0x21: {  	s3 =	sadd.s32 s3, s9;
	s6 =	sadd.s32 @!p0 $0x88, s6;
	s7 =	simm.s32 @p2 $0x1082  }
0x22: {  	[simem:s7], [sflag:s8] =	dma.local @!p0 [hbm:s6], $0xF7A  }
0x23: {  	s9 =	sor.u32 $0xD0000000, s2;
	s6 =	simm.s32 $0x108;
	_ =	swait.ge @!p0 [sflag:s8], $0x0  }
0x24: {  	s3 =	sadd.s32 $0x88, s3;
	s6 =	simm.s32 @!p1 $0x1082;
	[sflag:s4] =	ssyncset.s32 $0xFFFFF086  }
0x25: {  	[simem:s6], [sflag:s4] =	dma.local [hbm:s3], $0xF7A  }
0x26: {  	[smem:$0x3F95] =	sst s1;
	(tag) =	ssettag s2;
	_ =	strace s9  }
0x27: {  	s1 =	sld [smem:$0x3FA5]  }
0x28: {  	s2 =	sld [smem:$0x3FA6]  }
0x29: {  	s4 =	sld [smem:$0x3FA8]  }
0x2a: {  	p0 =	seq.s32 s5, $0x0;
	s5 =	sld [smem:$0x3FA9]  }
0x2b: {  	s6 =	sld [smem:$0x3FAA]  }
0x2c: {  	s7 =	sld [smem:$0x3FAB]  }
0x2d: {  	s3 =	simm.s32 $0x108;
	s8 =	sld [smem:$0x3FAC]  }
0x2e: {  	s3 =	simm.s32 @!p0 $0x1082;
	s9 =	sld [smem:$0x3FAD]  }
0x2f: {  	lr =	sadd.s32 s0, s3;
	s0 =	sld [smem:$0x3FA4]  }
0x30: {  	s3 =	sld [smem:$0x3FA7]  }
0x31: {  	[smem:$0x3FB0] =	sst s10  }
0x32: {  	s10 =	sld [smem:$0x3FAE];
	_ =	sdelay $0x3  }
0x33: {  	p0 =	seq.s32 s10, $0x1;
	s10 =	sld [smem:$0x3FB0];
	_ =	sdelay $0x3  }
0x34: {  	[smem:$0x3FB0] =	sst s10  }
0x35: {  	s10 =	sld [smem:$0x3FAF];
	_ =	sdelay $0x3  }
0x36: {  	p1 =	seq.s32 s10, $0x1;
	s10 =	sld [smem:$0x3FB0];
	_ =	sdelay $0x3  }
0x37: {  	[smem:$0x3FB0] =	sst s10  }
0x38: {  	s10 =	sld [smem:$0x3FB1]  }
0x39: {  	_ = 	snop;
	(pc) =	sbr.ind lr, $3  }
0x3a: {  	_ = 	snop  }
0x3b: {  	_ = 	snop  }
0x3c: {  	p2 =	seq.s32 s10, $0x1;
	s10 =	sld [smem:$0x3FB0]  }
0x3d: {  	_ =	shalt  }
0x3e: {  	_ =	shalt  }
0x3f: {  	_ =	shalt  }
0x40: {  	_ =	shalt  }
0x41: {  	_ =	shalt  }
0x42: {  	_ =	shalt  }
0x43: {  	_ =	shalt  }
0x44: {  	_ =	shalt  }
0x45: {  	_ =	shalt  }
0x46: {  	_ =	shalt  }
0x47: {  	_ =	shalt  }
0x48: {  	_ =	shalt  }
0x49: {  	_ =	shalt  }
0x4a: {  	_ =	shalt  }
0x4b: {  	_ =	shalt  }
0x4c: {  	_ =	shalt  }
0x4d: {  	_ =	shalt  }
0x4e: {  	_ =	shalt  }
0x4f: {  	_ =	shalt  }
0x50: {  	_ =	shalt  }
0x51: {  	_ =	shalt  }
0x52: {  	_ =	shalt  }
0x53: {  	_ =	shalt  }
0x54: {  	_ =	shalt  }
0x55: {  	_ =	shalt  }
0x56: {  	_ =	shalt  }
0x57: {  	_ =	shalt  }
0x58: {  	_ =	shalt  }
0x59: {  	_ =	shalt  }
0x5a: {  	_ =	shalt  }
0x5b: {  	_ =	shalt  }
0x5c: {  	_ =	shalt  }
0x5d: {  	_ =	shalt  }
0x5e: {  	_ =	shalt  }
0x5f: {  	_ =	shalt  }
0x60: {  	_ =	shalt  }
0x61: {  	_ =	shalt  }
0x62: {  	_ =	shalt  }
0x63: {  	_ =	shalt  }
0x64: {  	_ =	shalt  }
0x65: {  	_ =	shalt  }
0x66: {  	_ =	shalt  }
0x67: {  	_ =	shalt  }
0x68: {  	_ =	shalt  }
0x69: {  	_ =	shalt  }
0x6a: {  	_ =	shalt  }
0x6b: {  	_ =	shalt  }
0x6c: {  	_ =	shalt  }
0x6d: {  	_ =	shalt  }
0x6e: {  	_ =	shalt  }
0x6f: {  	_ =	shalt  }
0x70: {  	_ =	shalt  }
0x71: {  	_ =	shalt  }
0x72: {  	_ =	shalt  }
0x73: {  	_ =	shalt  }
0x74: {  	_ =	shalt  }
0x75: {  	_ =	shalt  }
0x76: {  	_ =	shalt  }
0x77: {  	_ =	shalt  }
0x78: {  	_ =	shalt  }
0x79: {  	_ =	shalt  }
0x7a: {  	_ =	shalt  }
0x7b: {  	_ =	shalt  }
0x7c: {  	_ =	shalt  }
0x7d: {  	_ =	shalt  }
0x7e: {  	_ =	shalt  }
0x7f: {  	_ =	shalt  }
0x80: {  	_ =	shalt  }
0x81: {  	_ =	shalt  }
0x82: {  	_ =	shalt  }
0x83: {  	_ =	shalt  }
0x84: {  	_ =	shalt  }
0x85: {  	_ =	shalt  }
0x86: {  	_ =	shalt  }
0x87: {  	_ =	shalt  }
.Lfunc_end0:
.L_simem_size_0:
called_computation_lowered:
.L_overlay_start_0:
0x88: {  	s2 =	sld [smem:$0x3FD9]  }
0x89: {  	s3 =	sld [smem:$0x3FFE];
	_ =	sdelay $0x1  }
0x8a: {  	s1 =	srdreg.scid  }
0x8b: {  	s0 =	sand.u32 $0x1, s1  }
0x8c: {  	s14 =	sshll.u32 s0, $0xA;
	s2 =	sadd.s32 s3, s2  }
0x8d: {  	s2 =	sadd.s32 s2, s14  }
0x8e: {  	[smem:$0x3FBC] =	sst s2  }
0x8f: {  	_ = 	snop  }
0x90: {  	s2 =	sld [smem:$0x3FD0];
	_ =	sdelay $0x2  }
0x91: {  	s15 =	simm.s32 $0xA;
	s4 =	simm.s32 $0x10  }
0x92: {  	[smem:s4], [sflag:s15] =	dma.local [hbm:s2], $0x1  }
0x93: {  	_ =	swait.eq [sflag:s15], $0x1  }
0x94: {  	s16 =	sld [smem:$0x10];
	[sflag:s15] =	ssyncset.done $0x0  }
0x95: {  	s17 =	sld [smem:$0x12];
	[sflag:s15] =	ssyncadd.s32 $0xFFFFFFFF  }
0x96: {  	s18 =	sld [smem:$0x13];
	(tm) =	ssettm $0x1  }
0x97: {  	s5 =	sld [smem:$0x3FFB];
	_ =	sdelay $0x3  }
0x98: {  	_ =	strace s5  }
0x99: {  	s5 =	sld [smem:$0x3FFC];
	_ =	sdelay $0x3  }
0x9a: {  	_ =	strace s5  }
0x9b: {  	s5 =	sld [smem:$0x3FFD];
	_ =	sdelay $0x3  }
0x9c: {  	_ =	strace s5  }
0x9d: {  	_ =	strace $0x8FFFFFFF  }
0x9e: {  	s19 =	sld [smem:$0x3FDB];
	_ =	sdelay $0x1  }
0x9f: {  	s6 =	simm.s32 $_scs_section_size  }
0xa0: {  	s7 =	simm.s32 $_size__tile_overlayer_lowered;
	s8 =	simm.s32 $_tile_overlayer_lowered  }
0xa1: {  	s22 =	simm.s32 $0x1BFF;
	s21 =	sshll.u32 s8, $0x1;
	s5 =	sadd.s32 s6, s19  }
0xa2: {  	s9 =	simm.s32 $0x0;
	s20 =	sshll.u32 s7, $0x1;
	s7 =	sadd.s32 s21, s5  }
0xa3: {  	[timem:s9], [sflag:s22] =	dma.local [hbm:s7], s20  }
0xa4: {  	_ =	swait.ge [sflag:s22], s20  }
0xa5: {  	s6 =	ssub.s32 $0x0, s20;
	[sflag:s22] =	ssyncset.done $0x0  }
0xa6: {  	[sflag:s22] =	ssyncadd.s32 s6;
	_ =	sdelay $0x1  }
0xa7: {  	s23 =	simm.s32 $0x1B8B  }
0xa8: {  	_ =	swait.ge [sflag:s23], $0x1  }
0xa9: {  	[sflag:s23] =	ssyncset.done $0x0  }
0xaa: {  	s25 =	simm.s32 $0x1B8E;
	s24 =	sld [smem:$0x3FFE];
	[sflag:s23] =	ssyncadd.s32 $0xFFFFFFFF  }
0xab: {  	s26 =	simm.s32 $execute0_lowered;
	[smem:$0x3FD2] =	sst s25  }
0xac: {  	s7 =	sshll.u32 s26, $0x1;
	_ =	strace $0x80000046;
	[dreg:$0x1] =	wrdreg $0xFFFFFFFF  }
0xad: {  	s28 =	simm.s32 $_size_execute0_lowered;
	s5 =	sadd.s32 s5, s7;
	[dreg:$0x0] =	wrdreg $0x0  }
0xae: {  	s7 =	sshll.u32 s28, $0x1;
	[dreg:$0x2] =	wrdreg s5  }
0xaf: {  	[dreg:$0x3] =	wrdreg s7  }
0xb0: {  	[dreg:$0x4] =	wrdreg $0xC0  }
0xb1: {  	_ =	task [dreg:s9], $0x5FFFF  }
0xb2: {  	[dreg:$0x1] =	wrdreg $0xFFFFFFFF  }
0xb3: {  	[dreg:$0x0] =	wrdreg $0x60  }
0xb4: {  	[dreg:$0x2] =	wrdreg s16  }
0xb5: {  	[dreg:$0x3] =	wrdreg s24  }
0xb6: {  	[dreg:$0x4] =	wrdreg s18  }
0xb7: {  	[dreg:$0x5] =	wrdreg s17  }
0xb8: {  	[dreg:$0x6] =	wrdreg $0x9  }
0xb9: {  	_ =	task.clear_ibuf [dreg:s9], $0x7FFFF;
	_ =	strace $0x90000046  }
0xba: {  	s29 =	simm.s32 $0x9;
	_ =	strace $0x80000048  }
0xbb: {  	_ =	swait.ge [sflag:s29], $0x1  }
0xbc: {  	[sflag:s29] =	ssyncadd.s32 $0xFFFFFFFF  }
0xbd: {  	_ =	strace $0x90000048  }
0xbe: {  	_ =	sfence  }
0xbf: {  	s30 =	sld [smem:$0x0];
	_ =	sdelay $0x2  }
0xc0: {  	s31 =	sshll.u32 s1, $0xD;
	s1 =	sshrl.u32 s1, $0x2  }
0xc1: {  	s3 =	sand.u32 $0x4000, s31;
	s1 =	sadd.s32 s1, s30  }
0xc2: {  	s0 =	sor.u32 s3, s0;
	s1 =	sshll.u32 s1, $0x11  }
0xc3: {  	s0 =	sor.u32 s1, s0  }
0xc4: {  	s0 =	sadd.s32 $0x8F2B, s0  }
0xc5: {  	[sflag:s0] =	ssyncadd.remote.s32 $0x1  }
0xc6: {  	_ =	sfence.sel $0xFFFF  }
0xc7: {  	[dreg:$0x0] =	wrdreg $0xFFFFFFFF;
	(pc) =	sbr.abs _section_cstart, $3  }
0xc8: {  	[dreg:$0x1] =	wrdreg $0xFFFFFFFF  }
0xc9: {  	_ =	task.clear_ibuf [dreg:s9], $0x2FFFF;
	_ =	strace $0x9FFFFFFF  }
0xca: {  	(tm) =	ssettm $0x7FFFFFFF  }
0xcb: {  	_ =	shalt  }
tec
execute0_lowered:
.L_overlay_start_1:
0x0: {  	(tag) =	ssettag $0x1  }
0x1: {  	s1 =	rddreg [dreg:$0x0]  }
0x2: {  	s6 =	rddreg [dreg:$0x1]  }
0x3: {  	s7 =	rddreg [dreg:$0x2]  }
0x4: {  	s2 =	srdreg.scid;
	s0 =	stileid.u32  }
0x5: {  	s3 =	rddreg [dreg:$0x3];
	s4 =	simm.s32 $0x0;
	s15 =	simm.s32 $0xD000  }
0x6: {  	s16 =	simm.s32 $0x80;
	s17 =	simm.s32 $0x5000;
	s18 =	simm.s32 $0x9000  }
0x7: {  	s19 =	simm.s32 $0x14580;
	s20 =	simm.s32 $0x4;
	s21 =	simm.s32 $0x1  }
0x8: {  	s22 =	simm.s32 $0x2;
	s23 =	simm.s32 $0x0;
	s10 =	smul.u32 $0x50000, s0  }
0x9: {  	s8 =	sand.u32 $0x1, s2;
	s2 =	rddreg [dreg:$0x4];
	s13 =	smul.u32 $0xA0, s0  }
0xa: {  	s5 =	sshll.u32 s0, $0x1;
	[smem:$0x7FF] =	sst s4;
	s14 =	smul.u32 $0x28000, s8  }
0xb: {  	s5 =	sor.u32 s8, s5;
	_ =	strace $0x80000047;
	s30 =	smul.u32 $0x50, s8  }
0xc: {  	v0 =	vlaneseq.u32;
	s12 =	ssub.s32 $0x2, s8;
	s9 =	smul.u32 $0x500, s5;
	s5 =	sadd.s32 $0xDC00, s6  }
.Ltmp0:
0xd: {  	v0 =	vmul.u32 $0x80, v0;
	s10 =	sadd.s32 s10, s6;
	s29 =	sshrl.u32 s12, $0x1;
	(pc) =	sbr.rel .LBB2_1-.Ltmp0, $4  }
0xe: {  	s12 =	ssub.s32 s12, s29;
	s31 =	sadd.s32 s14, s10;
	s14 =	simm.s32 $0x2800  }
0xf: {  	v1 =	vor.u32 $0x800, v0;
	v2 =	vor.u32 $0x1000, v0;
	s11 =	sadd.s32 s9, s6;
	s6 =	sadd.s32 s7, s9;
	s8 =	smax.u32 s12, $0x1  }
0x10: {  	v3 =	vor.u32 $0x1800, v0;
	v4 =	vor.u32 $0x2000, v0;
	s9 =	sadd.s32 s30, s13;
	s10 =	sadd.s32 $0x9F8E00, s31;
	s12 =	sadd.s32 $0x516E00, s31  }
0x11: {  	v5 =	vor.u32 $0x2800, v0;
	v6 =	vor.u32 $0x3000, v0;
	v7 =	vor.u32 $0x3800, v0;
	s13 =	simm.s32 $0x3;
	s7 =	sadd.s32 $0x3C00, s11;
	s11 =	sadd.s32 $0x34E00, s31  }
.LBB2_5:
0x12: {  	s23 =	sadd.s32 $0x1, s23  }
0x13: {  	p0 =	sne.s32 s23, s8  }
.Ltmp1:
0x14: {  	_ = 	snop;
	(pc) =	sbr.rel @!p0 .LBB2_6-.Ltmp1, $1  }
0x15: {  	_ =	sdelay $0x3  }
.LBB2_1:
0x16: {  	[tilespmem:s4], [sflag:$0x3] =	stream.linear.gather [hbm4b:s6+s4], $0x2800, $0x38;
	[tilespmem:$0x18580] =	vst v63  }
0x17: {  	_ =	swait.ge [sflag:s13], $0x2800  }
0x18: {  	[sflag:s13] =	ssyncset.done $0x0  }
0x19: {  	[sflag:s13] =	ssyncadd.s32 $0xFFFFD800  }
0x1a: {  	[tilespmem:s14], [sflag:$0x3] =	stream.linear.gather [hbm4b:s7+s4], $0x2800, $0x38;
	[tilespmem:$0x18580] =	vst v63  }
0x1b: {  	_ =	swait.ge [sflag:s13], $0x2800  }
0x1c: {  	[sflag:s13] =	ssyncset.done $0x0  }
.Ltmp2:
0x1d: {  	[sflag:s13] =	ssyncadd.s32 $0xFFFFD800;
	(pc) =	sbr.rel .LBB2_2-.Ltmp2, $4  }
0x1e: {  	[tilespmem:s15], [sflag:$0x3] =	stream.linear.gather [hbm4b:s3+s4], $0x7580, $0x38;
	[tilespmem:$0x18580] =	vst v63  }
0x1f: {  	s24 =	smov.u32 s12;
	_ =	swait.ge [sflag:s13], $0x7580  }
0x20: {  	s25 =	smov.u32 s11;
	s26 =	smov.u32 s10;
	[sflag:s13] =	ssyncset.done $0x0  }
0x21: {  	s28 =	smov.u32 s9;
	s29 =	simm.s32 $0x0;
	[sflag:s13] =	ssyncadd.s32 $0xFFFF8A80  }
.LBB2_4:
0x22: {  	s29 =	sadd.s32 $0x200, s29  }
0x23: {  	p0 =	sne.s32 s29, $0xA000  }
.Ltmp3:
0x24: {  	_ = 	snop;
	(pc) =	sbr.rel @!p0 .LBB2_5-.Ltmp3, $3  }
0x25: {  	_ =	sdelay $0x1  }
0x26: {  	s28 =	sadd.s32 $0x1, s28  }
0x27: {  	s26 =	sadd.s32 $0x800, s26;
	s25 =	sadd.s32 $0x800, s25;
	s24 =	sadd.s32 $0x800, s24  }
.LBB2_2:
0x28: {  	p0 =	sgt.u32 s28, $0x9C3  }
.Ltmp4:
0x29: {  	_ = 	snop;
	(pc) =	sbr.rel @p0 .LBB2_4-.Ltmp4, $1  }
0x2a: {  	_ =	sdelay $0x3  }
0x2b: {  	s30 =	sshra.s32 s29, $0x2  }
0x2c: {  	[tilespmem:s17], [sflag:$0x1] =	stream.indirect.gather [hbm4b:s1+s16], $0x80, s30, s16, $0xb8;
	[tilespmem:$0x18580] =	vst v63  }
0x2d: {  	s31 =	sadd.s32 $0x2800, s30  }
0x2e: {  	[tilespmem:s18], [sflag:$0x2] =	stream.indirect.gather [hbm4b:s5+s16], $0x80, s31, s16, $0xb8;
	[tilespmem:$0x18580] =	vst v63  }
0x2f: {  	v8 =	vld [tilespmem:s30+$0x0]  }
0x30: {  	v9 =	vld [tilespmem:s30+$0x2800];
	_ =	sdelay $0x3  }
0x31: {  	v8 =	vmul.u32 $0x3, v8  }
0x32: {  	v9 =	vmul.u32 $0x3, v9;
	_ =	sdelay $0x1  }
0x33: {  	v10 =	vadd.s32 $0x1, v8  }
0x34: {  	v11 =	vadd.s32 $0x1, v9  }
0x35: {  	v12 =	vadd.s32 $0x2, v8  }
0x36: {  	v13 =	vadd.s32 $0x2, v9;
	v8 =	vld.idx.msk [tilespmem:v8+s15+$0x0], $0xffff  }
0x37: {  	v9 =	vld.idx.msk [tilespmem:v9+s15+$0x0], $0xffff  }
0x38: {  	v10 =	vld.idx.msk [tilespmem:v10+s15+$0x0], $0xffff  }
0x39: {  	v11 =	vld.idx.msk [tilespmem:v11+s15+$0x0], $0xffff  }
0x3a: {  	v12 =	vld.idx.msk [tilespmem:v12+s15+$0x0], $0xffff  }
0x3b: {  	v13 =	vld.idx.msk [tilespmem:v13+s15+$0x0], $0xffff;
	_ =	sdelay $0x2  }
0x3c: {  	v8 =	vsub.f32 v9, v8;
	v55 =	vsub.f32 v11, v10;
	_ =	sdelay $0x1  }
0x3d: {  	v56 =	vsub.f32 v13, v12;
	v8 =	vmul.f32 v8, v8;
	v9 =	vmul.f32 v55, v55;
	_ =	sdelay $0x1  }
0x3e: {  	v57 =	vmul.f32 v56, v56;
	v8 =	vadd.f32 v9, v8;
	_ =	sdelay $0x1  }
0x3f: {  	v8 =	vadd.f32 v57, v8;
	_ =	sdelay $0x1  }
0x40: {  	[tilespmem:v0+s19+$0x0] =	vst.idx.msk $0xffff, v8  }
0x41: {  	v8 =	vld [tilespmem:s30+$0x10]  }
0x42: {  	v58 =	vld [tilespmem:s30+$0x2810];
	_ =	sdelay $0x3  }
0x43: {  	v8 =	vmul.u32 $0x3, v8  }
0x44: {  	v9 =	vmul.u32 $0x3, v58;
	_ =	sdelay $0x1  }
0x45: {  	v59 =	vadd.s32 $0x1, v8  }
0x46: {  	v60 =	vadd.s32 $0x1, v9  }
0x47: {  	v61 =	vadd.s32 $0x2, v8  }
0x48: {  	v62 =	vadd.s32 $0x2, v9;
	v8 =	vld.idx.msk [tilespmem:v8+s15+$0x0], $0xffff  }
0x49: {  	v9 =	vld.idx.msk [tilespmem:v9+s15+$0x0], $0xffff  }
0x4a: {  	v10 =	vld.idx.msk [tilespmem:v59+s15+$0x0], $0xffff  }
0x4b: {  	v11 =	vld.idx.msk [tilespmem:v60+s15+$0x0], $0xffff  }
0x4c: {  	v12 =	vld.idx.msk [tilespmem:v61+s15+$0x0], $0xffff  }
0x4d: {  	v13 =	vld.idx.msk [tilespmem:v62+s15+$0x0], $0xffff;
	_ =	sdelay $0x2  }
0x4e: {  	v8 =	vsub.f32 v9, v8;
	v63 =	vsub.f32 v11, v10;
	_ =	sdelay $0x1  }
0x4f: {  	v14 =	vsub.f32 v13, v12;
	v8 =	vmul.f32 v8, v8;
	v9 =	vmul.f32 v63, v63;
	_ =	sdelay $0x1  }
0x50: {  	v15 =	vmul.f32 v14, v14;
	v8 =	vadd.f32 v9, v8;
	_ =	sdelay $0x1  }
0x51: {  	v8 =	vadd.f32 v15, v8;
	_ =	sdelay $0x1  }
0x52: {  	[tilespmem:v1+s19+$0x0] =	vst.idx.msk $0xffff, v8  }
0x53: {  	v8 =	vld [tilespmem:s30+$0x20]  }
0x54: {  	v16 =	vld [tilespmem:s30+$0x2820];
	_ =	sdelay $0x3  }
0x55: {  	v8 =	vmul.u32 $0x3, v8  }
0x56: {  	v9 =	vmul.u32 $0x3, v16;
	_ =	sdelay $0x1  }
0x57: {  	v17 =	vadd.s32 $0x1, v8  }
0x58: {  	v18 =	vadd.s32 $0x1, v9  }
0x59: {  	v19 =	vadd.s32 $0x2, v8  }
0x5a: {  	v20 =	vadd.s32 $0x2, v9;
	v8 =	vld.idx.msk [tilespmem:v8+s15+$0x0], $0xffff  }
0x5b: {  	v9 =	vld.idx.msk [tilespmem:v9+s15+$0x0], $0xffff  }
0x5c: {  	v10 =	vld.idx.msk [tilespmem:v17+s15+$0x0], $0xffff  }
0x5d: {  	v11 =	vld.idx.msk [tilespmem:v18+s15+$0x0], $0xffff  }
0x5e: {  	v12 =	vld.idx.msk [tilespmem:v19+s15+$0x0], $0xffff  }
0x5f: {  	v13 =	vld.idx.msk [tilespmem:v20+s15+$0x0], $0xffff;
	_ =	sdelay $0x2  }
0x60: {  	v8 =	vsub.f32 v9, v8;
	v21 =	vsub.f32 v11, v10;
	_ =	sdelay $0x1  }
0x61: {  	v22 =	vsub.f32 v13, v12;
	v8 =	vmul.f32 v8, v8;
	v9 =	vmul.f32 v21, v21;
	_ =	sdelay $0x1  }
0x62: {  	v23 =	vmul.f32 v22, v22;
	v8 =	vadd.f32 v9, v8;
	_ =	sdelay $0x1  }
0x63: {  	v8 =	vadd.f32 v23, v8;
	_ =	sdelay $0x1  }
0x64: {  	[tilespmem:v2+s19+$0x0] =	vst.idx.msk $0xffff, v8  }
0x65: {  	v8 =	vld [tilespmem:s30+$0x30]  }
0x66: {  	v24 =	vld [tilespmem:s30+$0x2830];
	_ =	sdelay $0x3  }
0x67: {  	v8 =	vmul.u32 $0x3, v8  }
0x68: {  	v9 =	vmul.u32 $0x3, v24;
	_ =	sdelay $0x1  }
0x69: {  	v25 =	vadd.s32 $0x1, v8  }
0x6a: {  	v26 =	vadd.s32 $0x1, v9  }
0x6b: {  	v27 =	vadd.s32 $0x2, v8  }
0x6c: {  	v28 =	vadd.s32 $0x2, v9;
	v8 =	vld.idx.msk [tilespmem:v8+s15+$0x0], $0xffff  }
0x6d: {  	v9 =	vld.idx.msk [tilespmem:v9+s15+$0x0], $0xffff  }
0x6e: {  	v10 =	vld.idx.msk [tilespmem:v25+s15+$0x0], $0xffff  }
0x6f: {  	v11 =	vld.idx.msk [tilespmem:v26+s15+$0x0], $0xffff  }
0x70: {  	v12 =	vld.idx.msk [tilespmem:v27+s15+$0x0], $0xffff  }
0x71: {  	v13 =	vld.idx.msk [tilespmem:v28+s15+$0x0], $0xffff;
	_ =	sdelay $0x2  }
0x72: {  	v8 =	vsub.f32 v9, v8;
	v29 =	vsub.f32 v11, v10;
	_ =	sdelay $0x1  }
0x73: {  	v30 =	vsub.f32 v13, v12;
	v8 =	vmul.f32 v8, v8;
	v9 =	vmul.f32 v29, v29;
	_ =	sdelay $0x1  }
0x74: {  	v31 =	vmul.f32 v30, v30;
	v8 =	vadd.f32 v9, v8;
	_ =	sdelay $0x1  }
0x75: {  	v8 =	vadd.f32 v31, v8;
	_ =	sdelay $0x1  }
0x76: {  	[tilespmem:v3+s19+$0x0] =	vst.idx.msk $0xffff, v8  }
0x77: {  	v8 =	vld [tilespmem:s30+$0x40]  }
0x78: {  	v32 =	vld [tilespmem:s30+$0x2840];
	_ =	sdelay $0x3  }
0x79: {  	v8 =	vmul.u32 $0x3, v8  }
0x7a: {  	v9 =	vmul.u32 $0x3, v32;
	_ =	sdelay $0x1  }
0x7b: {  	v33 =	vadd.s32 $0x1, v8  }
0x7c: {  	v34 =	vadd.s32 $0x1, v9  }
0x7d: {  	v35 =	vadd.s32 $0x2, v8  }
0x7e: {  	v36 =	vadd.s32 $0x2, v9;
	v8 =	vld.idx.msk [tilespmem:v8+s15+$0x0], $0xffff  }
0x7f: {  	v9 =	vld.idx.msk [tilespmem:v9+s15+$0x0], $0xffff  }
0x80: {  	v10 =	vld.idx.msk [tilespmem:v33+s15+$0x0], $0xffff  }
0x81: {  	v11 =	vld.idx.msk [tilespmem:v34+s15+$0x0], $0xffff  }
0x82: {  	v12 =	vld.idx.msk [tilespmem:v35+s15+$0x0], $0xffff  }
0x83: {  	v13 =	vld.idx.msk [tilespmem:v36+s15+$0x0], $0xffff;
	_ =	sdelay $0x2  }
0x84: {  	v8 =	vsub.f32 v9, v8;
	v37 =	vsub.f32 v11, v10;
	_ =	sdelay $0x1  }
0x85: {  	v38 =	vsub.f32 v13, v12;
	v8 =	vmul.f32 v8, v8;
	v9 =	vmul.f32 v37, v37;
	_ =	sdelay $0x1  }
0x86: {  	v39 =	vmul.f32 v38, v38;
	v8 =	vadd.f32 v9, v8;
	_ =	sdelay $0x1  }
0x87: {  	v8 =	vadd.f32 v39, v8;
	_ =	sdelay $0x1  }
0x88: {  	[tilespmem:v4+s19+$0x0] =	vst.idx.msk $0xffff, v8  }
0x89: {  	v8 =	vld [tilespmem:s30+$0x50]  }
0x8a: {  	v40 =	vld [tilespmem:s30+$0x2850];
	_ =	sdelay $0x3  }
0x8b: {  	v8 =	vmul.u32 $0x3, v8  }
0x8c: {  	v9 =	vmul.u32 $0x3, v40;
	_ =	sdelay $0x1  }
0x8d: {  	v41 =	vadd.s32 $0x1, v8  }
0x8e: {  	v42 =	vadd.s32 $0x1, v9  }
0x8f: {  	v43 =	vadd.s32 $0x2, v8  }
0x90: {  	v44 =	vadd.s32 $0x2, v9;
	v8 =	vld.idx.msk [tilespmem:v8+s15+$0x0], $0xffff  }
0x91: {  	v9 =	vld.idx.msk [tilespmem:v9+s15+$0x0], $0xffff  }
0x92: {  	v10 =	vld.idx.msk [tilespmem:v41+s15+$0x0], $0xffff  }
0x93: {  	v11 =	vld.idx.msk [tilespmem:v42+s15+$0x0], $0xffff  }
0x94: {  	v12 =	vld.idx.msk [tilespmem:v43+s15+$0x0], $0xffff  }
0x95: {  	v13 =	vld.idx.msk [tilespmem:v44+s15+$0x0], $0xffff;
	_ =	sdelay $0x2  }
0x96: {  	v8 =	vsub.f32 v9, v8;
	v45 =	vsub.f32 v11, v10;
	_ =	sdelay $0x1  }
0x97: {  	v46 =	vsub.f32 v13, v12;
	v8 =	vmul.f32 v8, v8;
	v9 =	vmul.f32 v45, v45;
	_ =	sdelay $0x1  }
0x98: {  	v47 =	vmul.f32 v46, v46;
	v8 =	vadd.f32 v9, v8;
	_ =	sdelay $0x1  }
0x99: {  	v8 =	vadd.f32 v47, v8;
	_ =	sdelay $0x1  }
0x9a: {  	[tilespmem:v5+s19+$0x0] =	vst.idx.msk $0xffff, v8  }
0x9b: {  	v8 =	vld [tilespmem:s30+$0x60]  }
0x9c: {  	v48 =	vld [tilespmem:s30+$0x2860];
	_ =	sdelay $0x3  }
0x9d: {  	v8 =	vmul.u32 $0x3, v8  }
0x9e: {  	v9 =	vmul.u32 $0x3, v48;
	_ =	sdelay $0x1  }
0x9f: {  	v49 =	vadd.s32 $0x1, v8  }
0xa0: {  	v50 =	vadd.s32 $0x1, v9  }
0xa1: {  	v51 =	vadd.s32 $0x2, v8  }
0xa2: {  	v52 =	vadd.s32 $0x2, v9;
	v8 =	vld.idx.msk [tilespmem:v8+s15+$0x0], $0xffff  }
0xa3: {  	v9 =	vld.idx.msk [tilespmem:v9+s15+$0x0], $0xffff  }
0xa4: {  	v10 =	vld.idx.msk [tilespmem:v49+s15+$0x0], $0xffff  }
0xa5: {  	v11 =	vld.idx.msk [tilespmem:v50+s15+$0x0], $0xffff  }
0xa6: {  	v12 =	vld.idx.msk [tilespmem:v51+s15+$0x0], $0xffff  }
0xa7: {  	v13 =	vld.idx.msk [tilespmem:v52+s15+$0x0], $0xffff;
	_ =	sdelay $0x2  }
0xa8: {  	v8 =	vsub.f32 v9, v8;
	v53 =	vsub.f32 v11, v10;
	_ =	sdelay $0x1  }
0xa9: {  	v54 =	vsub.f32 v13, v12;
	v8 =	vmul.f32 v8, v8;
	v9 =	vmul.f32 v53, v53;
	_ =	sdelay $0x1  }
0xaa: {  	v55 =	vmul.f32 v54, v54;
	v8 =	vadd.f32 v9, v8;
	_ =	sdelay $0x1  }
0xab: {  	v8 =	vadd.f32 v55, v8;
	_ =	sdelay $0x1  }
0xac: {  	[tilespmem:v6+s19+$0x0] =	vst.idx.msk $0xffff, v8  }
0xad: {  	v8 =	vld [tilespmem:s30+$0x70]  }
0xae: {  	v56 =	vld [tilespmem:s30+$0x2870];
	_ =	sdelay $0x3  }
0xaf: {  	v8 =	vmul.u32 $0x3, v8  }
0xb0: {  	v9 =	vmul.u32 $0x3, v56;
	_ =	sdelay $0x1  }
0xb1: {  	v57 =	vadd.s32 $0x1, v8  }
0xb2: {  	v58 =	vadd.s32 $0x1, v9  }
0xb3: {  	v59 =	vadd.s32 $0x2, v8  }
0xb4: {  	v60 =	vadd.s32 $0x2, v9;
	v8 =	vld.idx.msk [tilespmem:v8+s15+$0x0], $0xffff  }
0xb5: {  	v9 =	vld.idx.msk [tilespmem:v9+s15+$0x0], $0xffff  }
0xb6: {  	v10 =	vld.idx.msk [tilespmem:v57+s15+$0x0], $0xffff  }
0xb7: {  	v11 =	vld.idx.msk [tilespmem:v58+s15+$0x0], $0xffff  }
0xb8: {  	v12 =	vld.idx.msk [tilespmem:v59+s15+$0x0], $0xffff  }
0xb9: {  	v13 =	vld.idx.msk [tilespmem:v60+s15+$0x0], $0xffff;
	_ =	sdelay $0x2  }
0xba: {  	v8 =	vsub.f32 v9, v8;
	v61 =	vsub.f32 v11, v10;
	_ =	sdelay $0x1  }
0xbb: {  	v62 =	vsub.f32 v13, v12;
	v8 =	vmul.f32 v8, v8;
	v9 =	vmul.f32 v61, v61;
	_ =	sdelay $0x1  }
0xbc: {  	v63 =	vmul.f32 v62, v62;
	v8 =	vadd.f32 v9, v8;
	_ =	sdelay $0x1  }
0xbd: {  	v8 =	vadd.f32 v63, v8;
	_ =	sdelay $0x1  }
0xbe: {  	[tilespmem:v7+s19+$0x0] =	vst.idx.msk $0xffff, v8  }
0xbf: {  	[hbm4b:s26+s4] =	stream.linear.scatter [tilespmem:s19], [sflag:$0x4], $0x4000, $0x38;
	[tilespmem:$0x18580] =	vst v63  }
0xc0: {  	_ =	swait.ge [sflag:s20], $0x4000  }
0xc1: {  	[sflag:s20] =	ssyncset.done $0x0  }
0xc2: {  	[sflag:s20] =	ssyncadd.s32 $0xFFFFC000  }
0xc3: {  	_ =	swait.ge [sflag:s21], $0x4000  }
0xc4: {  	[sflag:s21] =	ssyncset.done $0x0  }
0xc5: {  	[sflag:s21] =	ssyncadd.s32 $0xFFFFC000  }
0xc6: {  	[hbm4b:s25+s4] =	stream.linear.scatter [tilespmem:s17], [sflag:$0x4], $0x4000, $0x38;
	[tilespmem:$0x18580] =	vst v63  }
0xc7: {  	_ =	swait.ge [sflag:s20], $0x4000  }
0xc8: {  	[sflag:s20] =	ssyncset.done $0x0  }
0xc9: {  	[sflag:s20] =	ssyncadd.s32 $0xFFFFC000  }
0xca: {  	_ =	swait.ge [sflag:s22], $0x4000  }
0xcb: {  	[sflag:s22] =	ssyncset.done $0x0  }
.Ltmp5:
0xcc: {  	[sflag:s22] =	ssyncadd.s32 $0xFFFFC000;
	(pc) =	sbr.rel .LBB2_4-.Ltmp5, $4  }
0xcd: {  	[hbm4b:s24+s4] =	stream.linear.scatter [tilespmem:s18], [sflag:$0x3], $0x4000, $0x38;
	[tilespmem:$0x18580] =	vst v63  }
0xce: {  	_ =	swait.ge [sflag:s13], $0x4000  }
0xcf: {  	[sflag:s13] =	ssyncset.done $0x0  }
0xd0: {  	[sflag:s13] =	ssyncadd.s32 $0xFFFFC000  }
.LBB2_6:
0xd1: {  	_ =	sfence.sel $0x180000  }
0xd2: {  	[bflag:$0x0] =	sbarrier.arrive $0xFFFF  }
0xd3: {  	p0 =	sne.s32 s0, $0x0;
	_ =	strace $0x90000047  }
0xd4: {  	s0 =	sadd.s32 @!p0 $0x100000, s2;
	[bflag:$0x2] =	sbarrier.arrive $0xFFFF  }
0xd5: {  	[sflag:s0] =	ssyncadd.tile.s32 @!p0 $0x1;
	_ =	shalt  }
.Lfunc_end2:
_tile_overlayer_lowered:
.L_overlay_start_2:
0xd6: {  	(tag) =	ssettag $0x2  }
0xd7: {  	s0 =	rddreg [dreg:$0x0];
	s2 =	stileid.u32  }
0xd8: {  	s1 =	rddreg [dreg:$0x1];
	p0 =	sne.s32 s2, $0x0  }
0xd9: {  	s3 =	rddreg [dreg:$0x2];
	[bflag:$0x3] =	sbarrier.arrive $0xFFFF;
	s2 =	simm.s32 @!p0 $0x1C03  }
0xda: {  	[timem:s3], [sflag:s2] =	dma.local @!p0 [hbm:s0], s1  }
0xdb: {  	s0 =	simm.s32 @!p0 $0x3  }
0xdc: {  	_ =	swait.ge @!p0 [sflag:s0], s1  }
0xdd: {  	s1 =	ssub.s32 @!p0 $0x0, s1;
	[sflag:s0] =	ssyncset.done @!p0 $0x0  }
0xde: {  	[sflag:s0] =	ssyncadd.s32 @!p0 s1  }
0xdf: {  	[bflag:$0x3] =	sbarrier.arrive $0xFFFF  }
0xe0: {  	_ =	shalt  }

</sc_bundles>
